<compile_context>
chip_gen: v7x
topology: tpu7x:2x2x1
jax: 0.10.2.dev20260603
libtpu: 0.0.44.dev20260713+nightly
codegen_flags: <defaults>
</compile_context>

<pallas_src>
import functools

import jax
import jax.numpy as jnp
from jax import lax
from jax.experimental import pallas as pl
from jax.experimental.pallas import tpu as pltpu
from jax.experimental.pallas import tpu_sc as plsc

_N = 10000
_E = 320000
_DIN = 128
_DHID = 64
_DC = 16
_ALPHA = 0.1
_K = 10

_NT = 16
_NC = 2
_C = 256
_NSUB = 40
_EPAD = _NC * _NT * _NSUB * _C
_RT = _N // _NT
_R = _N + 8


def _mlp_block(x_ref, w1_ref, b1_ref, w2_ref, b2_ref, o_ref):
    x = x_ref[...]
    h = jnp.dot(x, w1_ref[...], preferred_element_type=jnp.float32)
    h = jnp.maximum(h + b1_ref[...], 0.0)
    o = jnp.dot(h, w2_ref[...], preferred_element_type=jnp.float32)
    o_ref[...] = o + b2_ref[...]


def _mlp(x, W1, b1, W2, b2):
    return pl.pallas_call(
        _mlp_block,
        grid=(10,),
        in_specs=[
            pl.BlockSpec((1000, _DIN), lambda i: (i, 0)),
            pl.BlockSpec((_DIN, _DHID), lambda i: (0, 0)),
            pl.BlockSpec((1, _DHID), lambda i: (0, 0)),
            pl.BlockSpec((_DHID, _DC), lambda i: (0, 0)),
            pl.BlockSpec((1, _DC), lambda i: (0, 0)),
        ],
        out_specs=pl.BlockSpec((1000, _DC), lambda i: (i, 0)),
        out_shape=jax.ShapeDtypeStruct((_N, _DC), jnp.float32),
    )(x, W1, b1, W2, b2)


def _rsqrt(v):
    i = lax.bitcast_convert_type(v, jnp.int32)
    i = jnp.int32(0x5F3759DF) - lax.shift_right_arithmetic(i, 1)
    y = lax.bitcast_convert_type(i, jnp.float32)
    for _ in range(3):
        y = y * (1.5 - 0.5 * v * y * y)
    return y


_MESH = plsc.VectorSubcoreMesh(core_axis_name="c", subcore_axis_name="s")


@functools.partial(
    pl.kernel,
    mesh=_MESH,
    compiler_params=pltpu.CompilerParams(use_tc_tiling_on_sc=False),
    out_type=(jax.ShapeDtypeStruct((_N * _DC,), jnp.float32),
              jax.ShapeDtypeStruct((_NC, _R, _DC), jnp.float32),
              jax.ShapeDtypeStruct((_NC, _R, _DC), jnp.float32)),
    scratch_types=[
        pltpu.VMEM_SHARED((_R, _DC), jnp.float32),
        pltpu.VMEM_SHARED((_R, _DC), jnp.float32),
        pltpu.VMEM((_NSUB, _C), jnp.int32),
        pltpu.VMEM((_NSUB, _C), jnp.int32),
        pltpu.VMEM((_C, _DC), jnp.float32),
        pltpu.VMEM((_C, _DC), jnp.float32),
        pltpu.VMEM((_RT, _DC), jnp.float32),
        pltpu.VMEM((_RT, _DC), jnp.float32),
        pltpu.VMEM((_RT, _DC), jnp.float32),
        pltpu.VMEM((_RT, _DC), jnp.float32),
        pltpu.VMEM((_RT, _DC), jnp.float32),
        pltpu.VMEM((_RT, _DC), jnp.float32),
        pltpu.VMEM((_RT * _DC,), jnp.float32),
        pltpu.SemaphoreType.DMA,
        pltpu.SemaphoreType.DMA,
        pltpu.SemaphoreType.DMA,
    ],
)
def _appnp(h_hbm, src_hbm, dst_hbm, out_hbm, p1_hbm, p2_hbm, T1, T2, src_v,
           dst_v, ebuf0, ebuf1, rn_nio, rn_h0o, rn_n9, b_t1, b_p, b_g, b_ho,
           semg, sems0, sems1):
    cid = lax.axis_index("c")
    sid = lax.axis_index("s")
    wid = cid * _NT + sid
    ocid = 1 - cid
    r0 = sid * _RT
    f0 = sid * (_RT * _DC)

    zeros16 = jnp.zeros((_DC,), jnp.float32)
    ones16 = jnp.full((_DC,), 1.0, jnp.float32)

    pltpu.sync_copy(src_hbm.at[wid], src_v)
    pltpu.sync_copy(dst_hbm.at[wid], dst_v)

    def _zero_bg(i, carry):
        b_g[i] = zeros16
        return carry

    def _fill_ones(i, carry):
        ebuf0[i] = ones16
        return carry

    lax.fori_loop(0, _RT, _zero_bg, 0)
    lax.fori_loop(0, _C, _fill_ones, 0)

    pltpu.sync_copy(b_g, T1.at[pl.ds(r0, _RT)])
    pltpu.sync_copy(b_g, T2.at[pl.ds(r0, _RT)])
    plsc.subcore_barrier()

    def _deg(j, carry):
        pltpu.async_copy(ebuf0, T1.at[src_v.at[j]], sems0, add=True)
        pltpu.async_copy(ebuf0, T2.at[dst_v.at[j]], sems1, add=True)
        return carry

    lax.fori_loop(0, _NSUB, _deg, 0)

    def _deg_drain(j, carry):
        pltpu.make_async_copy(ebuf0, T1.at[src_v.at[0]], sems0).wait()
        pltpu.make_async_copy(ebuf0, T2.at[dst_v.at[0]], sems1).wait()
        return carry

    lax.fori_loop(0, _NSUB, _deg_drain, 0)
    plsc.subcore_barrier()

    pltpu.sync_copy(T2.at[pl.ds(r0, _RT)], p1_hbm.at[cid, pl.ds(r0, _RT)])
    pltpu.sync_copy(T1.at[pl.ds(r0, _RT)], p2_hbm.at[cid, pl.ds(r0, _RT)])
    plsc.subcore_barrier()

    pltpu.sync_copy(T2.at[pl.ds(r0, _RT)], b_t1)
    pltpu.sync_copy(p1_hbm.at[ocid, pl.ds(r0, _RT)], b_p)

    def _tf1(i, carry):
        ni = _rsqrt(jnp.maximum(b_t1[i] + b_p[i], 1.0))
        rn_n9[i] = (1.0 - _ALPHA) * ni
        return carry

    lax.fori_loop(0, _RT, _tf1, 0)

    pltpu.sync_copy(T1.at[pl.ds(r0, _RT)], b_t1)
    pltpu.sync_copy(p2_hbm.at[ocid, pl.ds(r0, _RT)], b_p)
    pltpu.sync_copy(h_hbm.at[pl.ds(f0, _RT * _DC)], b_ho)

    def _tf2(i, carry):
        no = _rsqrt(jnp.maximum(b_t1[i] + b_p[i], 1.0))
        hh = b_ho[pl.ds(i * _DC, _DC)]
        rn_nio[i] = no * rn_n9[i]
        rn_h0o[i] = _ALPHA * no * hh
        b_t1[i] = no * hh
        return carry

    lax.fori_loop(0, _RT, _tf2, 0)

    pltpu.sync_copy(b_t1, T1.at[pl.ds(r0, _RT)])
    pltpu.sync_copy(b_g, T2.at[pl.ds(r0, _RT)])
    plsc.subcore_barrier()

    def _step(k, carry):
        def _edge2(jj, c2):
            j0 = 2 * jj
            j1 = j0 + 1

            @pl.when(jj > 0)
            def _drain0():
                pltpu.make_async_copy(ebuf0, T2.at[dst_v.at[0]], sems0).wait()

            pltpu.async_copy(T1.at[src_v.at[j0]], ebuf0, semg).wait()
            pltpu.async_copy(ebuf0, T2.at[dst_v.at[j0]], sems0, add=True)

            @pl.when(jj > 0)
            def _drain1():
                pltpu.make_async_copy(ebuf1, T2.at[dst_v.at[0]], sems1).wait()

            pltpu.async_copy(T1.at[src_v.at[j1]], ebuf1, semg).wait()
            pltpu.async_copy(ebuf1, T2.at[dst_v.at[j1]], sems1, add=True)
            return c2

        lax.fori_loop(0, _NSUB // 2, _edge2, 0)
        pltpu.make_async_copy(ebuf0, T2.at[dst_v.at[0]], sems0).wait()
        pltpu.make_async_copy(ebuf1, T2.at[dst_v.at[0]], sems1).wait()
        plsc.subcore_barrier()

        pltpu.sync_copy(T2.at[pl.ds(r0, _RT)], p1_hbm.at[cid, pl.ds(r0, _RT)])
        plsc.subcore_barrier()

        @pl.when(k < _K - 1)
        def _upd():
            pltpu.async_copy(T2.at[pl.ds(r0, _RT)], b_t1, semg).wait()
            pltpu.async_copy(p1_hbm.at[ocid, pl.ds(r0, _RT)], b_p, sems1).wait()
            zh = pltpu.async_copy(b_g, T2.at[pl.ds(r0, _RT)], sems0)

            def _u(i, c2):
                b_t1[i] = (b_t1[i] + b_p[i]) * rn_nio[i] + rn_h0o[i]
                return c2

            lax.fori_loop(0, _RT, _u, 0, unroll=8)
            pltpu.async_copy(b_t1, T1.at[pl.ds(r0, _RT)], sems1).wait()
            zh.wait()

        plsc.subcore_barrier()
        return carry

    lax.fori_loop(0, _K, _step, 0)

    @pl.when(cid == 0)
    def _out():
        pltpu.sync_copy(T2.at[pl.ds(r0, _RT)], b_t1)
        pltpu.sync_copy(p1_hbm.at[1, pl.ds(r0, _RT)], b_p)
        pltpu.sync_copy(h_hbm.at[pl.ds(f0, _RT * _DC)], b_ho)

        def _o(i, carry):
            hh = b_ho[pl.ds(i * _DC, _DC)]
            b_ho[pl.ds(i * _DC, _DC)] = (b_t1[i] + b_p[i]) * rn_n9[i] + _ALPHA * hh
            return carry

        lax.fori_loop(0, _RT, _o, 0)
        pltpu.sync_copy(b_ho, out_hbm.at[pl.ds(f0, _RT * _DC)])


@jax.jit
def kernel(features, edge_index, W1, b1, W2, b2):
    h = _mlp(features, W1, b1.reshape(1, -1), W2, b2.reshape(1, -1))
    src = edge_index[0]
    dst = edge_index[1]
    pad = jnp.full((_EPAD - _E,), _N, jnp.int32)
    src_p = jnp.concatenate([src, pad]).reshape(_NC * _NT, _NSUB, _C)
    dst_p = jnp.concatenate([dst, pad]).reshape(_NC * _NT, _NSUB, _C)
    out, _, _ = _appnp(h.reshape(-1), src_p, dst_p)
    return out.reshape(_N, _DC)

# --- scband reference (transcript-rebuilt; emitter-appended) ---
"""Pipeline reference for scband-appnp-11141145166396 (READ-ONLY COPY).

The authoritative reference and input builder live on the scoring server;
editing this copy changes nothing except your own understanding.
"""

import jax, jax.numpy as jnp
import numpy as np

N = 10000
E = 320000
D_IN = 128
D_HID = 64
N_CLASSES = 16
ALPHA = 0.1
K = 10


def setup_inputs(seed: int = 0) -> dict:
    key = jax.random.key(seed)
    k0, k1, k2, k3, k4, k5 = jax.random.split(key, 6)
    features = jax.random.normal(k0, (N, D_IN), dtype=jnp.float32)
    edge_index = jax.random.randint(k1, (2, E), 0, N, dtype=jnp.int32)
    # MLP parameters (Linear layers with kaiming-uniform-like scale)
    lim1 = 1.0 / np.sqrt(D_IN)
    W1 = jax.random.uniform(k2, (D_IN, D_HID), jnp.float32, -lim1, lim1)
    b1 = jax.random.uniform(k3, (D_HID,), jnp.float32, -lim1, lim1)
    lim2 = 1.0 / np.sqrt(D_HID)
    W2 = jax.random.uniform(k4, (D_HID, N_CLASSES), jnp.float32, -lim2, lim2)
    b2 = jax.random.uniform(k5, (N_CLASSES,), jnp.float32, -lim2, lim2)
    return {"features": features, "edge_index": edge_index, "W1": W1, "b1": b1, "W2": W2, "b2": b2}


def reference(features, edge_index, W1, b1, W2, b2):
    # MLP: Linear(128,64) -> relu -> Linear(64,16). hiddens has one entry so
    # layers[1:-1] is empty; dropout is identity (feat_drop=0, edge_drop=0).
    h = jax.nn.relu(features @ W1 + b1)
    h = h @ W2 + b2
    # APPNPConv with symmetric normalization (DGL semantics):
    # feat <- D_in^{-1/2} A (D_out^{-1/2} feat); feat <- (1-alpha)*feat + alpha*h0
    src = edge_index[0]
    dst = edge_index[1]
    deg_out = jnp.clip(jnp.bincount(src, length=N), 1, None).astype(jnp.float32)
    deg_in = jnp.clip(jnp.bincount(dst, length=N), 1, None).astype(jnp.float32)
    norm_out = (deg_out ** -0.5)[:, None]
    norm_in = (deg_in ** -0.5)[:, None]
    h0 = h
    feat = h
    for _ in range(K):
        feat = feat * norm_out
        msg = jnp.take(feat, src, axis=0)
        agg = jnp.zeros_like(feat).at[dst].add(msg)
        feat = agg * norm_in
        feat = (1.0 - ALPHA) * feat + ALPHA * h0
    return feat

if __name__ == "__main__":
    import jax
    _d = setup_inputs()
    print(jax.jit(kernel)(*tuple(_d.values())))

</pallas_src>

<mosaic_0001>
#map = affine_map<(d0, d1) -> (0)>
#map1 = affine_map<(d0, d1) -> (0, 0, 0)>
module attributes {stable_mosaic.version = 14 : i64} {
  func.func @_appnp(%arg0: i32, %arg1: i32, %arg2: memref<160000xf32, #tpu.memory_space<hbm>>, %arg3: memref<32x40x256xi32, #tpu.memory_space<hbm>>, %arg4: memref<32x40x256xi32, #tpu.memory_space<hbm>>, %arg5: memref<160000xf32, #tpu.memory_space<hbm>>, %arg6: memref<2x10008x16xf32, #tpu.memory_space<hbm>>, %arg7: memref<2x10008x16xf32, #tpu.memory_space<hbm>>, %arg8: memref<10008x16xf32, #tpu.memory_space<vmem_shared>>, %arg9: memref<10008x16xf32, #tpu.memory_space<vmem_shared>>, %arg10: memref<40x256xi32, #tpu.memory_space<vmem>>, %arg11: memref<40x256xi32, #tpu.memory_space<vmem>>, %arg12: memref<256x16xf32, #tpu.memory_space<vmem>>, %arg13: memref<256x16xf32, #tpu.memory_space<vmem>>, %arg14: memref<625x16xf32, #tpu.memory_space<vmem>>, %arg15: memref<625x16xf32, #tpu.memory_space<vmem>>, %arg16: memref<625x16xf32, #tpu.memory_space<vmem>>, %arg17: memref<625x16xf32, #tpu.memory_space<vmem>>, %arg18: memref<625x16xf32, #tpu.memory_space<vmem>>, %arg19: memref<625x16xf32, #tpu.memory_space<vmem>>, %arg20: memref<10000xf32, #tpu.memory_space<vmem>>, %arg21: memref<!tpu.dma_semaphore, #tpu.memory_space<semaphore_mem>>, %arg22: memref<!tpu.dma_semaphore, #tpu.memory_space<semaphore_mem>>, %arg23: memref<!tpu.dma_semaphore, #tpu.memory_space<semaphore_mem>>) attributes {dimension_semantics = [#tpu.dimension_semantics<core_parallel>, #tpu.dimension_semantics<subcore_parallel>], iteration_bounds = array<i64: 2, 16>, scalar_prefetch = 0 : i64, scratch_operands = 16 : i64, tpu.core_type = #tpu.core_type<sc_vector_subcore>, window_params = [{transform_indices = #map}, {transform_indices = #map1}, {transform_indices = #map1}, {transform_indices = #map}, {transform_indices = #map1}, {transform_indices = #map1}]} {
    %mul3A = arith.constant 16 : i32
    %mul3A_0 = arith.muli %arg0, %mul3A : i32
    %add3A = arith.addi %mul3A_0, %arg1 : i32
    %sub3A = arith.constant 1 : i32
    %sub3A_1 = arith.subi %sub3A, %arg0 : i32
    %mul3A_2 = arith.constant 625 : i32
    %mul3A_3 = arith.muli %arg1, %mul3A_2 : i32
    %mul3A_4 = arith.constant 10000 : i32
    %mul3A_5 = arith.muli %arg1, %mul3A_4 : i32
    %broadcast_in_dim3A = arith.constant 0.000000e+00 : f32
    %broadcast_in_dim3A_6 = vector.broadcast %broadcast_in_dim3A : f32 to vector<16xf32>
    %broadcast_in_dim3A_7 = arith.constant 1.000000e+00 : f32
    %broadcast_in_dim3A_8 = vector.broadcast %broadcast_in_dim3A_7 : f32 to vector<16xf32>
    "tpu.region"() ({
      %run_scoped3A = tpu.sem_alloc : memref<!tpu.dma_semaphore, #tpu.memory_space<semaphore_mem>>
      %dma_start3A = arith.constant 0 : i32
      %dma_start3A_55 = arith.constant 0 : i32
      %dma_start3A_56 = tpu.memref_slice %arg3[%add3A, %dma_start3A, %dma_start3A_55] : memref<32x40x256xi32, #tpu.memory_space<hbm>> -> memref<1x40x256xi32, #tpu.memory_space<hbm>>
      %dma_start3A_57 = tpu.memref_squeeze %dma_start3A_56 : memref<1x40x256xi32, #tpu.memory_space<hbm>> -> memref<40x256xi32, #tpu.memory_space<hbm>>
      %dma_start3A_58 = arith.constant 0 : i32
      %dma_start3A_59 = arith.constant 0 : i32
      %dma_start3A_60 = tpu.memref_slice %arg3[%add3A, %dma_start3A_58, %dma_start3A_59] : memref<32x40x256xi32, #tpu.memory_space<hbm>> -> memref<1x40x256xi32, #tpu.memory_space<hbm>>
      %dma_start3A_61 = tpu.memref_squeeze %dma_start3A_60 : memref<1x40x256xi32, #tpu.memory_space<hbm>> -> memref<40x256xi32, #tpu.memory_space<hbm>>
      tpu.enqueue_dma source(%dma_start3A_61 : memref<40x256xi32, #tpu.memory_space<hbm>>) target(%arg10 : memref<40x256xi32, #tpu.memory_space<vmem>>) target_semaphore(%run_scoped3A : memref<!tpu.dma_semaphore, #tpu.memory_space<semaphore_mem>>)
      %dma_wait3A = arith.constant 0 : i32
      %dma_wait3A_62 = arith.constant 0 : i32
      %dma_wait3A_63 = tpu.memref_slice %arg3[%add3A, %dma_wait3A, %dma_wait3A_62] : memref<32x40x256xi32, #tpu.memory_space<hbm>> -> memref<1x40x256xi32, #tpu.memory_space<hbm>>
      %dma_wait3A_64 = tpu.memref_squeeze %dma_wait3A_63 : memref<1x40x256xi32, #tpu.memory_space<hbm>> -> memref<40x256xi32, #tpu.memory_space<hbm>>
      %dma_wait3A_65 = arith.constant 0 : i32
      %dma_wait3A_66 = arith.constant 0 : i32
      %dma_wait3A_67 = tpu.memref_slice %arg3[%add3A, %dma_wait3A_65, %dma_wait3A_66] : memref<32x40x256xi32, #tpu.memory_space<hbm>> -> memref<1x40x256xi32, #tpu.memory_space<hbm>>
      %dma_wait3A_68 = tpu.memref_squeeze %dma_wait3A_67 : memref<1x40x256xi32, #tpu.memory_space<hbm>> -> memref<40x256xi32, #tpu.memory_space<hbm>>
      tpu.wait_dma2 semaphore(%run_scoped3A : memref<!tpu.dma_semaphore, #tpu.memory_space<semaphore_mem>>) src(%dma_wait3A_68 : memref<40x256xi32, #tpu.memory_space<hbm>>) dst(%arg10 : memref<40x256xi32, #tpu.memory_space<vmem>>)
      tpu.yield
    }) : () -> ()
    "tpu.region"() ({
      %run_scoped3A = tpu.sem_alloc : memref<!tpu.dma_semaphore, #tpu.memory_space<semaphore_mem>>
      %dma_start3A = arith.constant 0 : i32
      %dma_start3A_55 = arith.constant 0 : i32
      %dma_start3A_56 = tpu.memref_slice %arg4[%add3A, %dma_start3A, %dma_start3A_55] : memref<32x40x256xi32, #tpu.memory_space<hbm>> -> memref<1x40x256xi32, #tpu.memory_space<hbm>>
      %dma_start3A_57 = tpu.memref_squeeze %dma_start3A_56 : memref<1x40x256xi32, #tpu.memory_space<hbm>> -> memref<40x256xi32, #tpu.memory_space<hbm>>
      %dma_start3A_58 = arith.constant 0 : i32
      %dma_start3A_59 = arith.constant 0 : i32
      %dma_start3A_60 = tpu.memref_slice %arg4[%add3A, %dma_start3A_58, %dma_start3A_59] : memref<32x40x256xi32, #tpu.memory_space<hbm>> -> memref<1x40x256xi32, #tpu.memory_space<hbm>>
      %dma_start3A_61 = tpu.memref_squeeze %dma_start3A_60 : memref<1x40x256xi32, #tpu.memory_space<hbm>> -> memref<40x256xi32, #tpu.memory_space<hbm>>
      tpu.enqueue_dma source(%dma_start3A_61 : memref<40x256xi32, #tpu.memory_space<hbm>>) target(%arg11 : memref<40x256xi32, #tpu.memory_space<vmem>>) target_semaphore(%run_scoped3A : memref<!tpu.dma_semaphore, #tpu.memory_space<semaphore_mem>>)
      %dma_wait3A = arith.constant 0 : i32
      %dma_wait3A_62 = arith.constant 0 : i32
      %dma_wait3A_63 = tpu.memref_slice %arg4[%add3A, %dma_wait3A, %dma_wait3A_62] : memref<32x40x256xi32, #tpu.memory_space<hbm>> -> memref<1x40x256xi32, #tpu.memory_space<hbm>>
      %dma_wait3A_64 = tpu.memref_squeeze %dma_wait3A_63 : memref<1x40x256xi32, #tpu.memory_space<hbm>> -> memref<40x256xi32, #tpu.memory_space<hbm>>
      %dma_wait3A_65 = arith.constant 0 : i32
      %dma_wait3A_66 = arith.constant 0 : i32
      %dma_wait3A_67 = tpu.memref_slice %arg4[%add3A, %dma_wait3A_65, %dma_wait3A_66] : memref<32x40x256xi32, #tpu.memory_space<hbm>> -> memref<1x40x256xi32, #tpu.memory_space<hbm>>
      %dma_wait3A_68 = tpu.memref_squeeze %dma_wait3A_67 : memref<1x40x256xi32, #tpu.memory_space<hbm>> -> memref<40x256xi32, #tpu.memory_space<hbm>>
      tpu.wait_dma2 semaphore(%run_scoped3A : memref<!tpu.dma_semaphore, #tpu.memory_space<semaphore_mem>>) src(%dma_wait3A_68 : memref<40x256xi32, #tpu.memory_space<hbm>>) dst(%arg11 : memref<40x256xi32, #tpu.memory_space<vmem>>)
      tpu.yield
    }) : () -> ()
    %scan3A = arith.constant 0 : i32
    %scan3A_9 = arith.constant 0 : i32
    %scan3A_10 = arith.constant 625 : i32
    %scan3A_11 = arith.addi %scan3A_9, %scan3A_10 : i32
    %scan3A_12 = arith.constant 1 : i32
    scf.for %scan3A_55 = %scan3A_9 to %scan3A_11 step %scan3A_12  : i32 {
      %swap3A = arith.index_cast %scan3A_55 : i32 to index
      %swap3A_56 = arith.constant 0 : index
      %swap3A_57 = tpu.vector_load %arg19[%swap3A, %swap3A_56] {strides = array<i32>} : memref<625x16xf32, #tpu.memory_space<vmem>>, vector<1x16xf32>,
      %swap3A_58 = vector.shape_cast %swap3A_57 : vector<1x16xf32> to vector<16xf32>
      %swap3A_59 = vector.shape_cast %broadcast_in_dim3A_6 : vector<16xf32> to vector<1x16xf32>
      tpu.vector_store %arg19[%swap3A, %swap3A_56], %swap3A_59 {strides = array<i32>} : memref<625x16xf32, #tpu.memory_space<vmem>>, vector<1x16xf32>,
    }
    %scan3A_13 = arith.constant 625 : i32
    %scan3A_14 = arith.constant 0 : i32
    %scan3A_15 = arith.constant 0 : i32
    %scan3A_16 = arith.constant 256 : i32
    %scan3A_17 = arith.addi %scan3A_15, %scan3A_16 : i32
    %scan3A_18 = arith.constant 1 : i32
    scf.for %scan3A_55 = %scan3A_15 to %scan3A_17 step %scan3A_18  : i32 {
      %swap3A = arith.index_cast %scan3A_55 : i32 to index
      %swap3A_56 = arith.constant 0 : index
      %swap3A_57 = tpu.vector_load %arg12[%swap3A, %swap3A_56] {strides = array<i32>} : memref<256x16xf32, #tpu.memory_space<vmem>>, vector<1x16xf32>,
      %swap3A_58 = vector.shape_cast %swap3A_57 : vector<1x16xf32> to vector<16xf32>
      %swap3A_59 = vector.shape_cast %broadcast_in_dim3A_8 : vector<16xf32> to vector<1x16xf32>
      tpu.vector_store %arg12[%swap3A, %swap3A_56], %swap3A_59 {strides = array<i32>} : memref<256x16xf32, #tpu.memory_space<vmem>>, vector<1x16xf32>,
    }
    %scan3A_19 = arith.constant 256 : i32
    "tpu.region"() ({
      %run_scoped3A = tpu.sem_alloc : memref<!tpu.dma_semaphore, #tpu.memory_space<semaphore_mem>>
      %dma_start3A = arith.constant 0 : i32
      %dma_start3A_55 = tpu.memref_slice %arg8[%mul3A_3, %dma_start3A] : memref<10008x16xf32, #tpu.memory_space<vmem_shared>> -> memref<625x16xf32, #tpu.memory_space<vmem_shared>>
      %dma_start3A_56 = arith.constant 0 : i32
      %dma_start3A_57 = tpu.memref_slice %arg8[%mul3A_3, %dma_start3A_56] : memref<10008x16xf32, #tpu.memory_space<vmem_shared>> -> memref<625x16xf32, #tpu.memory_space<vmem_shared>>
      tpu.enqueue_dma source(%arg19 : memref<625x16xf32, #tpu.memory_space<vmem>>) target(%dma_start3A_57 : memref<625x16xf32, #tpu.memory_space<vmem_shared>>) target_semaphore(%run_scoped3A : memref<!tpu.dma_semaphore, #tpu.memory_space<semaphore_mem>>)
      %dma_wait3A = arith.constant 0 : i32
      %dma_wait3A_58 = tpu.memref_slice %arg8[%mul3A_3, %dma_wait3A] : memref<10008x16xf32, #tpu.memory_space<vmem_shared>> -> memref<625x16xf32, #tpu.memory_space<vmem_shared>>
      %dma_wait3A_59 = arith.constant 0 : i32
      %dma_wait3A_60 = tpu.memref_slice %arg8[%mul3A_3, %dma_wait3A_59] : memref<10008x16xf32, #tpu.memory_space<vmem_shared>> -> memref<625x16xf32, #tpu.memory_space<vmem_shared>>
      tpu.wait_dma2 semaphore(%run_scoped3A : memref<!tpu.dma_semaphore, #tpu.memory_space<semaphore_mem>>) src(%arg19 : memref<625x16xf32, #tpu.memory_space<vmem>>) dst(%dma_wait3A_60 : memref<625x16xf32, #tpu.memory_space<vmem_shared>>)
      tpu.yield
    }) : () -> ()
    "tpu.region"() ({
      %run_scoped3A = tpu.sem_alloc : memref<!tpu.dma_semaphore, #tpu.memory_space<semaphore_mem>>
      %dma_start3A = arith.constant 0 : i32
      %dma_start3A_55 = tpu.memref_slice %arg9[%mul3A_3, %dma_start3A] : memref<10008x16xf32, #tpu.memory_space<vmem_shared>> -> memref<625x16xf32, #tpu.memory_space<vmem_shared>>
      %dma_start3A_56 = arith.constant 0 : i32
      %dma_start3A_57 = tpu.memref_slice %arg9[%mul3A_3, %dma_start3A_56] : memref<10008x16xf32, #tpu.memory_space<vmem_shared>> -> memref<625x16xf32, #tpu.memory_space<vmem_shared>>
      tpu.enqueue_dma source(%arg19 : memref<625x16xf32, #tpu.memory_space<vmem>>) target(%dma_start3A_57 : memref<625x16xf32, #tpu.memory_space<vmem_shared>>) target_semaphore(%run_scoped3A : memref<!tpu.dma_semaphore, #tpu.memory_space<semaphore_mem>>)
      %dma_wait3A = arith.constant 0 : i32
      %dma_wait3A_58 = tpu.memref_slice %arg9[%mul3A_3, %dma_wait3A] : memref<10008x16xf32, #tpu.memory_space<vmem_shared>> -> memref<625x16xf32, #tpu.memory_space<vmem_shared>>
      %dma_wait3A_59 = arith.constant 0 : i32
      %dma_wait3A_60 = tpu.memref_slice %arg9[%mul3A_3, %dma_wait3A_59] : memref<10008x16xf32, #tpu.memory_space<vmem_shared>> -> memref<625x16xf32, #tpu.memory_space<vmem_shared>>
      tpu.wait_dma2 semaphore(%run_scoped3A : memref<!tpu.dma_semaphore, #tpu.memory_space<semaphore_mem>>) src(%arg19 : memref<625x16xf32, #tpu.memory_space<vmem>>) dst(%dma_wait3A_60 : memref<625x16xf32, #tpu.memory_space<vmem_shared>>)
      tpu.yield
    }) : () -> ()
    %barrier3A = arith.constant 0 : index
    tpu.barrier barrier_id(%barrier3A)
    %scan3A_20 = arith.constant 0 : i32
    %scan3A_21 = arith.constant 0 : i32
    %scan3A_22 = arith.constant 40 : i32
    %scan3A_23 = arith.addi %scan3A_21, %scan3A_22 : i32
    %scan3A_24 = arith.constant 1 : i32
    scf.for %scan3A_55 = %scan3A_21 to %scan3A_23 step %scan3A_24  : i32 {
      %dma_start3A = arith.constant 0 : i32
      %dma_start3A_56 = tpu.memref_slice %arg10[%scan3A_55, %dma_start3A] : memref<40x256xi32, #tpu.memory_space<vmem>> -> memref<1x256xi32, #tpu.memory_space<vmem>>
      %dma_start3A_57 = tpu.memref_squeeze %dma_start3A_56 : memref<1x256xi32, #tpu.memory_space<vmem>> -> memref<256xi32, #tpu.memory_space<vmem>>
      %dma_start3A_58 = arith.constant 0 : i32
      %dma_start3A_59 = arith.constant 0 : i32
      %dma_start3A_60 = tpu.memref_slice %arg8[%dma_start3A_58, %dma_start3A_59] : memref<10008x16xf32, #tpu.memory_space<vmem_shared>> -> memref<10008x16xf32, #tpu.memory_space<vmem_shared>>
      tpu.enqueue_indirect_dma source(%arg12 : memref<256x16xf32, #tpu.memory_space<vmem>>) target(%dma_start3A_60 : memref<10008x16xf32, #tpu.memory_space<vmem_shared>>) offsets(%dma_start3A_57 : memref<256xi32, #tpu.memory_space<vmem>>) semaphore(%arg22 : memref<!tpu.dma_semaphore, #tpu.memory_space<semaphore_mem>>) {add = true}
      %dma_start3A_61 = arith.constant 0 : i32
      %dma_start3A_62 = tpu.memref_slice %arg11[%scan3A_55, %dma_start3A_61] : memref<40x256xi32, #tpu.memory_space<vmem>> -> memref<1x256xi32, #tpu.memory_space<vmem>>
      %dma_start3A_63 = tpu.memref_squeeze %dma_start3A_62 : memref<1x256xi32, #tpu.memory_space<vmem>> -> memref<256xi32, #tpu.memory_space<vmem>>
      %dma_start3A_64 = arith.constant 0 : i32
      %dma_start3A_65 = arith.constant 0 : i32
      %dma_start3A_66 = tpu.memref_slice %arg9[%dma_start3A_64, %dma_start3A_65] : memref<10008x16xf32, #tpu.memory_space<vmem_shared>> -> memref<10008x16xf32, #tpu.memory_space<vmem_shared>>
      tpu.enqueue_indirect_dma source(%arg12 : memref<256x16xf32, #tpu.memory_space<vmem>>) target(%dma_start3A_66 : memref<10008x16xf32, #tpu.memory_space<vmem_shared>>) offsets(%dma_start3A_63 : memref<256xi32, #tpu.memory_space<vmem>>) semaphore(%arg23 : memref<!tpu.dma_semaphore, #tpu.memory_space<semaphore_mem>>) {add = true}
    }
    %scan3A_25 = arith.constant 40 : i32
    %scan3A_26 = arith.constant 0 : i32
    %scan3A_27 = arith.constant 0 : i32
    %scan3A_28 = arith.constant 40 : i32
    %scan3A_29 = arith.addi %scan3A_27, %scan3A_28 : i32
    %scan3A_30 = arith.constant 1 : i32
    scf.for %scan3A_55 = %scan3A_27 to %scan3A_29 step %scan3A_30  : i32 {
      %dma_wait3A = arith.constant 0 : i32
      %dma_wait3A_56 = arith.constant 0 : i32
      %dma_wait3A_57 = tpu.memref_slice %arg10[%dma_wait3A, %dma_wait3A_56] : memref<40x256xi32, #tpu.memory_space<vmem>> -> memref<1x256xi32, #tpu.memory_space<vmem>>
      %dma_wait3A_58 = tpu.memref_squeeze %dma_wait3A_57 : memref<1x256xi32, #tpu.memory_space<vmem>> -> memref<256xi32, #tpu.memory_space<vmem>>
      %dma_wait3A_59 = arith.constant 0 : i32
      %dma_wait3A_60 = arith.constant 0 : i32
      %dma_wait3A_61 = tpu.memref_slice %arg8[%dma_wait3A_59, %dma_wait3A_60] : memref<10008x16xf32, #tpu.memory_space<vmem_shared>> -> memref<10008x16xf32, #tpu.memory_space<vmem_shared>>
      tpu.wait_indirect_dma semaphore(%arg22 : memref<!tpu.dma_semaphore, #tpu.memory_space<semaphore_mem>>) src(%arg12 : memref<256x16xf32, #tpu.memory_space<vmem>>) dst(%dma_wait3A_61 : memref<10008x16xf32, #tpu.memory_space<vmem_shared>>)
      %dma_wait3A_62 = arith.constant 0 : i32
      %dma_wait3A_63 = arith.constant 0 : i32
      %dma_wait3A_64 = tpu.memref_slice %arg11[%dma_wait3A_62, %dma_wait3A_63] : memref<40x256xi32, #tpu.memory_space<vmem>> -> memref<1x256xi32, #tpu.memory_space<vmem>>
      %dma_wait3A_65 = tpu.memref_squeeze %dma_wait3A_64 : memref<1x256xi32, #tpu.memory_space<vmem>> -> memref<256xi32, #tpu.memory_space<vmem>>
      %dma_wait3A_66 = arith.constant 0 : i32
      %dma_wait3A_67 = arith.constant 0 : i32
      %dma_wait3A_68 = tpu.memref_slice %arg9[%dma_wait3A_66, %dma_wait3A_67] : memref<10008x16xf32, #tpu.memory_space<vmem_shared>> -> memref<10008x16xf32, #tpu.memory_space<vmem_shared>>
      tpu.wait_indirect_dma semaphore(%arg23 : memref<!tpu.dma_semaphore, #tpu.memory_space<semaphore_mem>>) src(%arg12 : memref<256x16xf32, #tpu.memory_space<vmem>>) dst(%dma_wait3A_68 : memref<10008x16xf32, #tpu.memory_space<vmem_shared>>)
    }
    %scan3A_31 = arith.constant 40 : i32
    %barrier3A_32 = arith.constant 0 : index
    tpu.barrier barrier_id(%barrier3A_32)
    "tpu.region"() ({
      %run_scoped3A = tpu.sem_alloc : memref<!tpu.dma_semaphore, #tpu.memory_space<semaphore_mem>>
      %dma_start3A = arith.constant 0 : i32
      %dma_start3A_55 = tpu.memref_slice %arg6[%arg0, %mul3A_3, %dma_start3A] : memref<2x10008x16xf32, #tpu.memory_space<hbm>> -> memref<1x625x16xf32, #tpu.memory_space<hbm>>
      %dma_start3A_56 = tpu.memref_squeeze %dma_start3A_55 : memref<1x625x16xf32, #tpu.memory_space<hbm>> -> memref<625x16xf32, #tpu.memory_space<hbm>>
      %dma_start3A_57 = arith.constant 0 : i32
      %dma_start3A_58 = tpu.memref_slice %arg9[%mul3A_3, %dma_start3A_57] : memref<10008x16xf32, #tpu.memory_space<vmem_shared>> -> memref<625x16xf32, #tpu.memory_space<vmem_shared>>
      tpu.enqueue_dma source(%dma_start3A_58 : memref<625x16xf32, #tpu.memory_space<vmem_shared>>) target(%dma_start3A_56 : memref<625x16xf32, #tpu.memory_space<hbm>>) target_semaphore(%run_scoped3A : memref<!tpu.dma_semaphore, #tpu.memory_space<semaphore_mem>>)
      %dma_wait3A = arith.constant 0 : i32
      %dma_wait3A_59 = tpu.memref_slice %arg6[%arg0, %mul3A_3, %dma_wait3A] : memref<2x10008x16xf32, #tpu.memory_space<hbm>> -> memref<1x625x16xf32, #tpu.memory_space<hbm>>
      %dma_wait3A_60 = tpu.memref_squeeze %dma_wait3A_59 : memref<1x625x16xf32, #tpu.memory_space<hbm>> -> memref<625x16xf32, #tpu.memory_space<hbm>>
      %dma_wait3A_61 = arith.constant 0 : i32
      %dma_wait3A_62 = tpu.memref_slice %arg9[%mul3A_3, %dma_wait3A_61] : memref<10008x16xf32, #tpu.memory_space<vmem_shared>> -> memref<625x16xf32, #tpu.memory_space<vmem_shared>>
      tpu.wait_dma2 semaphore(%run_scoped3A : memref<!tpu.dma_semaphore, #tpu.memory_space<semaphore_mem>>) src(%dma_wait3A_62 : memref<625x16xf32, #tpu.memory_space<vmem_shared>>) dst(%dma_wait3A_60 : memref<625x16xf32, #tpu.memory_space<hbm>>)
      tpu.yield
    }) : () -> ()
    "tpu.region"() ({
      %run_scoped3A = tpu.sem_alloc : memref<!tpu.dma_semaphore, #tpu.memory_space<semaphore_mem>>
      %dma_start3A = arith.constant 0 : i32
      %dma_start3A_55 = tpu.memref_slice %arg7[%arg0, %mul3A_3, %dma_start3A] : memref<2x10008x16xf32, #tpu.memory_space<hbm>> -> memref<1x625x16xf32, #tpu.memory_space<hbm>>
      %dma_start3A_56 = tpu.memref_squeeze %dma_start3A_55 : memref<1x625x16xf32, #tpu.memory_space<hbm>> -> memref<625x16xf32, #tpu.memory_space<hbm>>
      %dma_start3A_57 = arith.constant 0 : i32
      %dma_start3A_58 = tpu.memref_slice %arg8[%mul3A_3, %dma_start3A_57] : memref<10008x16xf32, #tpu.memory_space<vmem_shared>> -> memref<625x16xf32, #tpu.memory_space<vmem_shared>>
      tpu.enqueue_dma source(%dma_start3A_58 : memref<625x16xf32, #tpu.memory_space<vmem_shared>>) target(%dma_start3A_56 : memref<625x16xf32, #tpu.memory_space<hbm>>) target_semaphore(%run_scoped3A : memref<!tpu.dma_semaphore, #tpu.memory_space<semaphore_mem>>)
      %dma_wait3A = arith.constant 0 : i32
      %dma_wait3A_59 = tpu.memref_slice %arg7[%arg0, %mul3A_3, %dma_wait3A] : memref<2x10008x16xf32, #tpu.memory_space<hbm>> -> memref<1x625x16xf32, #tpu.memory_space<hbm>>
      %dma_wait3A_60 = tpu.memref_squeeze %dma_wait3A_59 : memref<1x625x16xf32, #tpu.memory_space<hbm>> -> memref<625x16xf32, #tpu.memory_space<hbm>>
      %dma_wait3A_61 = arith.constant 0 : i32
      %dma_wait3A_62 = tpu.memref_slice %arg8[%mul3A_3, %dma_wait3A_61] : memref<10008x16xf32, #tpu.memory_space<vmem_shared>> -> memref<625x16xf32, #tpu.memory_space<vmem_shared>>
      tpu.wait_dma2 semaphore(%run_scoped3A : memref<!tpu.dma_semaphore, #tpu.memory_space<semaphore_mem>>) src(%dma_wait3A_62 : memref<625x16xf32, #tpu.memory_space<vmem_shared>>) dst(%dma_wait3A_60 : memref<625x16xf32, #tpu.memory_space<hbm>>)
      tpu.yield
    }) : () -> ()
    %barrier3A_33 = arith.constant 0 : index
    tpu.barrier barrier_id(%barrier3A_33)
    "tpu.region"() ({
      %run_scoped3A = tpu.sem_alloc : memref<!tpu.dma_semaphore, #tpu.memory_space<semaphore_mem>>
      %dma_start3A = arith.constant 0 : i32
      %dma_start3A_55 = tpu.memref_slice %arg9[%mul3A_3, %dma_start3A] : memref<10008x16xf32, #tpu.memory_space<vmem_shared>> -> memref<625x16xf32, #tpu.memory_space<vmem_shared>>
      %dma_start3A_56 = arith.constant 0 : i32
      %dma_start3A_57 = tpu.memref_slice %arg9[%mul3A_3, %dma_start3A_56] : memref<10008x16xf32, #tpu.memory_space<vmem_shared>> -> memref<625x16xf32, #tpu.memory_space<vmem_shared>>
      tpu.enqueue_dma source(%dma_start3A_57 : memref<625x16xf32, #tpu.memory_space<vmem_shared>>) target(%arg17 : memref<625x16xf32, #tpu.memory_space<vmem>>) target_semaphore(%run_scoped3A : memref<!tpu.dma_semaphore, #tpu.memory_space<semaphore_mem>>)
      %dma_wait3A = arith.constant 0 : i32
      %dma_wait3A_58 = tpu.memref_slice %arg9[%mul3A_3, %dma_wait3A] : memref<10008x16xf32, #tpu.memory_space<vmem_shared>> -> memref<625x16xf32, #tpu.memory_space<vmem_shared>>
      %dma_wait3A_59 = arith.constant 0 : i32
      %dma_wait3A_60 = tpu.memref_slice %arg9[%mul3A_3, %dma_wait3A_59] : memref<10008x16xf32, #tpu.memory_space<vmem_shared>> -> memref<625x16xf32, #tpu.memory_space<vmem_shared>>
      tpu.wait_dma2 semaphore(%run_scoped3A : memref<!tpu.dma_semaphore, #tpu.memory_space<semaphore_mem>>) src(%dma_wait3A_60 : memref<625x16xf32, #tpu.memory_space<vmem_shared>>) dst(%arg17 : memref<625x16xf32, #tpu.memory_space<vmem>>)
      tpu.yield
    }) : () -> ()
    "tpu.region"() ({
      %run_scoped3A = tpu.sem_alloc : memref<!tpu.dma_semaphore, #tpu.memory_space<semaphore_mem>>
      %dma_start3A = arith.constant 0 : i32
      %dma_start3A_55 = tpu.memref_slice %arg6[%sub3A_1, %mul3A_3, %dma_start3A] : memref<2x10008x16xf32, #tpu.memory_space<hbm>> -> memref<1x625x16xf32, #tpu.memory_space<hbm>>
      %dma_start3A_56 = tpu.memref_squeeze %dma_start3A_55 : memref<1x625x16xf32, #tpu.memory_space<hbm>> -> memref<625x16xf32, #tpu.memory_space<hbm>>
      %dma_start3A_57 = arith.constant 0 : i32
      %dma_start3A_58 = tpu.memref_slice %arg6[%sub3A_1, %mul3A_3, %dma_start3A_57] : memref<2x10008x16xf32, #tpu.memory_space<hbm>> -> memref<1x625x16xf32, #tpu.memory_space<hbm>>
      %dma_start3A_59 = tpu.memref_squeeze %dma_start3A_58 : memref<1x625x16xf32, #tpu.memory_space<hbm>> -> memref<625x16xf32, #tpu.memory_space<hbm>>
      tpu.enqueue_dma source(%dma_start3A_59 : memref<625x16xf32, #tpu.memory_space<hbm>>) target(%arg18 : memref<625x16xf32, #tpu.memory_space<vmem>>) target_semaphore(%run_scoped3A : memref<!tpu.dma_semaphore, #tpu.memory_space<semaphore_mem>>)
      %dma_wait3A = arith.constant 0 : i32
      %dma_wait3A_60 = tpu.memref_slice %arg6[%sub3A_1, %mul3A_3, %dma_wait3A] : memref<2x10008x16xf32, #tpu.memory_space<hbm>> -> memref<1x625x16xf32, #tpu.memory_space<hbm>>
      %dma_wait3A_61 = tpu.memref_squeeze %dma_wait3A_60 : memref<1x625x16xf32, #tpu.memory_space<hbm>> -> memref<625x16xf32, #tpu.memory_space<hbm>>
      %dma_wait3A_62 = arith.constant 0 : i32
      %dma_wait3A_63 = tpu.memref_slice %arg6[%sub3A_1, %mul3A_3, %dma_wait3A_62] : memref<2x10008x16xf32, #tpu.memory_space<hbm>> -> memref<1x625x16xf32, #tpu.memory_space<hbm>>
      %dma_wait3A_64 = tpu.memref_squeeze %dma_wait3A_63 : memref<1x625x16xf32, #tpu.memory_space<hbm>> -> memref<625x16xf32, #tpu.memory_space<hbm>>
      tpu.wait_dma2 semaphore(%run_scoped3A : memref<!tpu.dma_semaphore, #tpu.memory_space<semaphore_mem>>) src(%dma_wait3A_64 : memref<625x16xf32, #tpu.memory_space<hbm>>) dst(%arg18 : memref<625x16xf32, #tpu.memory_space<vmem>>)
      tpu.yield
    }) : () -> ()
    %scan3A_34 = arith.constant 0 : i32
    %scan3A_35 = arith.constant 0 : i32
    %scan3A_36 = arith.constant 625 : i32
    %scan3A_37 = arith.addi %scan3A_35, %scan3A_36 : i32
    %scan3A_38 = arith.constant 1 : i32
    scf.for %scan3A_55 = %scan3A_35 to %scan3A_37 step %scan3A_38  : i32 {
      %get3A = arith.index_cast %scan3A_55 : i32 to index
      %get3A_56 = arith.constant 0 : index
      %get3A_57 = tpu.vector_load %arg17[%get3A, %get3A_56] {strides = array<i32>} : memref<625x16xf32, #tpu.memory_space<vmem>>, vector<1x16xf32>,
      %get3A_58 = vector.shape_cast %get3A_57 : vector<1x16xf32> to vector<16xf32>
      %get3A_59 = arith.index_cast %scan3A_55 : i32 to index
      %get3A_60 = arith.constant 0 : index
      %get3A_61 = tpu.vector_load %arg18[%get3A_59, %get3A_60] {strides = array<i32>} : memref<625x16xf32, #tpu.memory_space<vmem>>, vector<1x16xf32>,
      %get3A_62 = vector.shape_cast %get3A_61 : vector<1x16xf32> to vector<16xf32>
      %add3A_63 = arith.addf %get3A_58, %get3A_62 : vector<16xf32>
      %max3A = arith.constant 1.000000e+00 : f32
      %max3A_64 = vector.broadcast %max3A : f32 to vector<16xf32>
      %max3A_65 = arith.maximumf %add3A_63, %max3A_64 : vector<16xf32>
      %bitcast_convert_type3A = tpu.bitcast %max3A_65 : vector<16xf32> -> vector<16xi32>
      %shift_right_arithmetic3A = arith.constant 1 : i32
      %shift_right_arithmetic3A_66 = vector.broadcast %shift_right_arithmetic3A : i32 to vector<16xi32>
      %shift_right_arithmetic3A_67 = arith.shrsi %bitcast_convert_type3A, %shift_right_arithmetic3A_66 : vector<16xi32>
      %sub3A_68 = arith.constant 1597463007 : i32
      %sub3A_69 = vector.broadcast %sub3A_68 : i32 to vector<16xi32>
      %sub3A_70 = arith.subi %sub3A_69, %shift_right_arithmetic3A_67 : vector<16xi32>
      %bitcast_convert_type3A_71 = tpu.bitcast %sub3A_70 : vector<16xi32> -> vector<16xf32>
      %mul3A_72 = arith.constant 5.000000e-01 : f32
      %mul3A_73 = vector.broadcast %mul3A_72 : f32 to vector<16xf32>
      %mul3A_74 = arith.mulf %mul3A_73, %max3A_65 : vector<16xf32>
      %mul3A_75 = arith.mulf %mul3A_74, %bitcast_convert_type3A_71 : vector<16xf32>
      %mul3A_76 = arith.mulf %mul3A_75, %bitcast_convert_type3A_71 : vector<16xf32>
      %sub3A_77 = arith.constant 1.500000e+00 : f32
      %sub3A_78 = vector.broadcast %sub3A_77 : f32 to vector<16xf32>
      %sub3A_79 = arith.subf %sub3A_78, %mul3A_76 : vector<16xf32>
      %mul3A_80 = arith.mulf %bitcast_convert_type3A_71, %sub3A_79 : vector<16xf32>
      %mul3A_81 = arith.constant 5.000000e-01 : f32
      %mul3A_82 = vector.broadcast %mul3A_81 : f32 to vector<16xf32>
      %mul3A_83 = arith.mulf %mul3A_82, %max3A_65 : vector<16xf32>
      %mul3A_84 = arith.mulf %mul3A_83, %mul3A_80 : vector<16xf32>
      %mul3A_85 = arith.mulf %mul3A_84, %mul3A_80 : vector<16xf32>
      %sub3A_86 = arith.constant 1.500000e+00 : f32
      %sub3A_87 = vector.broadcast %sub3A_86 : f32 to vector<16xf32>
      %sub3A_88 = arith.subf %sub3A_87, %mul3A_85 : vector<16xf32>
      %mul3A_89 = arith.mulf %mul3A_80, %sub3A_88 : vector<16xf32>
      %mul3A_90 = arith.constant 5.000000e-01 : f32
      %mul3A_91 = vector.broadcast %mul3A_90 : f32 to vector<16xf32>
      %mul3A_92 = arith.mulf %mul3A_91, %max3A_65 : vector<16xf32>
      %mul3A_93 = arith.mulf %mul3A_92, %mul3A_89 : vector<16xf32>
      %mul3A_94 = arith.mulf %mul3A_93, %mul3A_89 : vector<16xf32>
      %sub3A_95 = arith.constant 1.500000e+00 : f32
      %sub3A_96 = vector.broadcast %sub3A_95 : f32 to vector<16xf32>
      %sub3A_97 = arith.subf %sub3A_96, %mul3A_94 : vector<16xf32>
      %mul3A_98 = arith.mulf %mul3A_89, %sub3A_97 : vector<16xf32>
      %mul3A_99 = arith.constant 0.899999976 : f32
      %mul3A_100 = vector.broadcast %mul3A_99 : f32 to vector<16xf32>
      %mul3A_101 = arith.mulf %mul3A_100, %mul3A_98 : vector<16xf32>
      %swap3A = arith.index_cast %scan3A_55 : i32 to index
      %swap3A_102 = arith.constant 0 : index
      %swap3A_103 = tpu.vector_load %arg16[%swap3A, %swap3A_102] {strides = array<i32>} : memref<625x16xf32, #tpu.memory_space<vmem>>, vector<1x16xf32>,
      %swap3A_104 = vector.shape_cast %swap3A_103 : vector<1x16xf32> to vector<16xf32>
      %swap3A_105 = vector.shape_cast %mul3A_101 : vector<16xf32> to vector<1x16xf32>
      tpu.vector_store %arg16[%swap3A, %swap3A_102], %swap3A_105 {strides = array<i32>} : memref<625x16xf32, #tpu.memory_space<vmem>>, vector<1x16xf32>,
    }
    %scan3A_39 = arith.constant 625 : i32
    "tpu.region"() ({
      %run_scoped3A = tpu.sem_alloc : memref<!tpu.dma_semaphore, #tpu.memory_space<semaphore_mem>>
      %dma_start3A = arith.constant 0 : i32
      %dma_start3A_55 = tpu.memref_slice %arg8[%mul3A_3, %dma_start3A] : memref<10008x16xf32, #tpu.memory_space<vmem_shared>> -> memref<625x16xf32, #tpu.memory_space<vmem_shared>>
      %dma_start3A_56 = arith.constant 0 : i32
      %dma_start3A_57 = tpu.memref_slice %arg8[%mul3A_3, %dma_start3A_56] : memref<10008x16xf32, #tpu.memory_space<vmem_shared>> -> memref<625x16xf32, #tpu.memory_space<vmem_shared>>
      tpu.enqueue_dma source(%dma_start3A_57 : memref<625x16xf32, #tpu.memory_space<vmem_shared>>) target(%arg17 : memref<625x16xf32, #tpu.memory_space<vmem>>) target_semaphore(%run_scoped3A : memref<!tpu.dma_semaphore, #tpu.memory_space<semaphore_mem>>)
      %dma_wait3A = arith.constant 0 : i32
      %dma_wait3A_58 = tpu.memref_slice %arg8[%mul3A_3, %dma_wait3A] : memref<10008x16xf32, #tpu.memory_space<vmem_shared>> -> memref<625x16xf32, #tpu.memory_space<vmem_shared>>
      %dma_wait3A_59 = arith.constant 0 : i32
      %dma_wait3A_60 = tpu.memref_slice %arg8[%mul3A_3, %dma_wait3A_59] : memref<10008x16xf32, #tpu.memory_space<vmem_shared>> -> memref<625x16xf32, #tpu.memory_space<vmem_shared>>
      tpu.wait_dma2 semaphore(%run_scoped3A : memref<!tpu.dma_semaphore, #tpu.memory_space<semaphore_mem>>) src(%dma_wait3A_60 : memref<625x16xf32, #tpu.memory_space<vmem_shared>>) dst(%arg17 : memref<625x16xf32, #tpu.memory_space<vmem>>)
      tpu.yield
    }) : () -> ()
    "tpu.region"() ({
      %run_scoped3A = tpu.sem_alloc : memref<!tpu.dma_semaphore, #tpu.memory_space<semaphore_mem>>
      %dma_start3A = arith.constant 0 : i32
      %dma_start3A_55 = tpu.memref_slice %arg7[%sub3A_1, %mul3A_3, %dma_start3A] : memref<2x10008x16xf32, #tpu.memory_space<hbm>> -> memref<1x625x16xf32, #tpu.memory_space<hbm>>
      %dma_start3A_56 = tpu.memref_squeeze %dma_start3A_55 : memref<1x625x16xf32, #tpu.memory_space<hbm>> -> memref<625x16xf32, #tpu.memory_space<hbm>>
      %dma_start3A_57 = arith.constant 0 : i32
      %dma_start3A_58 = tpu.memref_slice %arg7[%sub3A_1, %mul3A_3, %dma_start3A_57] : memref<2x10008x16xf32, #tpu.memory_space<hbm>> -> memref<1x625x16xf32, #tpu.memory_space<hbm>>
      %dma_start3A_59 = tpu.memref_squeeze %dma_start3A_58 : memref<1x625x16xf32, #tpu.memory_space<hbm>> -> memref<625x16xf32, #tpu.memory_space<hbm>>
      tpu.enqueue_dma source(%dma_start3A_59 : memref<625x16xf32, #tpu.memory_space<hbm>>) target(%arg18 : memref<625x16xf32, #tpu.memory_space<vmem>>) target_semaphore(%run_scoped3A : memref<!tpu.dma_semaphore, #tpu.memory_space<semaphore_mem>>)
      %dma_wait3A = arith.constant 0 : i32
      %dma_wait3A_60 = tpu.memref_slice %arg7[%sub3A_1, %mul3A_3, %dma_wait3A] : memref<2x10008x16xf32, #tpu.memory_space<hbm>> -> memref<1x625x16xf32, #tpu.memory_space<hbm>>
      %dma_wait3A_61 = tpu.memref_squeeze %dma_wait3A_60 : memref<1x625x16xf32, #tpu.memory_space<hbm>> -> memref<625x16xf32, #tpu.memory_space<hbm>>
      %dma_wait3A_62 = arith.constant 0 : i32
      %dma_wait3A_63 = tpu.memref_slice %arg7[%sub3A_1, %mul3A_3, %dma_wait3A_62] : memref<2x10008x16xf32, #tpu.memory_space<hbm>> -> memref<1x625x16xf32, #tpu.memory_space<hbm>>
      %dma_wait3A_64 = tpu.memref_squeeze %dma_wait3A_63 : memref<1x625x16xf32, #tpu.memory_space<hbm>> -> memref<625x16xf32, #tpu.memory_space<hbm>>
      tpu.wait_dma2 semaphore(%run_scoped3A : memref<!tpu.dma_semaphore, #tpu.memory_space<semaphore_mem>>) src(%dma_wait3A_64 : memref<625x16xf32, #tpu.memory_space<hbm>>) dst(%arg18 : memref<625x16xf32, #tpu.memory_space<vmem>>)
      tpu.yield
    }) : () -> ()
    "tpu.region"() ({
      %run_scoped3A = tpu.sem_alloc : memref<!tpu.dma_semaphore, #tpu.memory_space<semaphore_mem>>
      %dma_start3A = tpu.memref_slice %arg2[%mul3A_5] : memref<160000xf32, #tpu.memory_space<hbm>> -> memref<10000xf32, #tpu.memory_space<hbm>>
      %dma_start3A_55 = tpu.memref_slice %arg2[%mul3A_5] : memref<160000xf32, #tpu.memory_space<hbm>> -> memref<10000xf32, #tpu.memory_space<hbm>>
      tpu.enqueue_dma source(%dma_start3A_55 : memref<10000xf32, #tpu.memory_space<hbm>>) target(%arg20 : memref<10000xf32, #tpu.memory_space<vmem>>) target_semaphore(%run_scoped3A : memref<!tpu.dma_semaphore, #tpu.memory_space<semaphore_mem>>)
      %dma_wait3A = tpu.memref_slice %arg2[%mul3A_5] : memref<160000xf32, #tpu.memory_space<hbm>> -> memref<10000xf32, #tpu.memory_space<hbm>>
      %dma_wait3A_56 = tpu.memref_slice %arg2[%mul3A_5] : memref<160000xf32, #tpu.memory_space<hbm>> -> memref<10000xf32, #tpu.memory_space<hbm>>
      tpu.wait_dma2 semaphore(%run_scoped3A : memref<!tpu.dma_semaphore, #tpu.memory_space<semaphore_mem>>) src(%dma_wait3A_56 : memref<10000xf32, #tpu.memory_space<hbm>>) dst(%arg20 : memref<10000xf32, #tpu.memory_space<vmem>>)
      tpu.yield
    }) : () -> ()
    %scan3A_40 = arith.constant 0 : i32
    %scan3A_41 = arith.constant 0 : i32
    %scan3A_42 = arith.constant 625 : i32
    %scan3A_43 = arith.addi %scan3A_41, %scan3A_42 : i32
    %scan3A_44 = arith.constant 1 : i32
    scf.for %scan3A_55 = %scan3A_41 to %scan3A_43 step %scan3A_44  : i32 {
      %get3A = arith.index_cast %scan3A_55 : i32 to index
      %get3A_56 = arith.constant 0 : index
      %get3A_57 = tpu.vector_load %arg17[%get3A, %get3A_56] {strides = array<i32>} : memref<625x16xf32, #tpu.memory_space<vmem>>, vector<1x16xf32>,
      %get3A_58 = vector.shape_cast %get3A_57 : vector<1x16xf32> to vector<16xf32>
      %get3A_59 = arith.index_cast %scan3A_55 : i32 to index
      %get3A_60 = arith.constant 0 : index
      %get3A_61 = tpu.vector_load %arg18[%get3A_59, %get3A_60] {strides = array<i32>} : memref<625x16xf32, #tpu.memory_space<vmem>>, vector<1x16xf32>,
      %get3A_62 = vector.shape_cast %get3A_61 : vector<1x16xf32> to vector<16xf32>
      %add3A_63 = arith.addf %get3A_58, %get3A_62 : vector<16xf32>
      %max3A = arith.constant 1.000000e+00 : f32
      %max3A_64 = vector.broadcast %max3A : f32 to vector<16xf32>
      %max3A_65 = arith.maximumf %add3A_63, %max3A_64 : vector<16xf32>
      %bitcast_convert_type3A = tpu.bitcast %max3A_65 : vector<16xf32> -> vector<16xi32>
      %shift_right_arithmetic3A = arith.constant 1 : i32
      %shift_right_arithmetic3A_66 = vector.broadcast %shift_right_arithmetic3A : i32 to vector<16xi32>
      %shift_right_arithmetic3A_67 = arith.shrsi %bitcast_convert_type3A, %shift_right_arithmetic3A_66 : vector<16xi32>
      %sub3A_68 = arith.constant 1597463007 : i32
      %sub3A_69 = vector.broadcast %sub3A_68 : i32 to vector<16xi32>
      %sub3A_70 = arith.subi %sub3A_69, %shift_right_arithmetic3A_67 : vector<16xi32>
      %bitcast_convert_type3A_71 = tpu.bitcast %sub3A_70 : vector<16xi32> -> vector<16xf32>
      %mul3A_72 = arith.constant 5.000000e-01 : f32
      %mul3A_73 = vector.broadcast %mul3A_72 : f32 to vector<16xf32>
      %mul3A_74 = arith.mulf %mul3A_73, %max3A_65 : vector<16xf32>
      %mul3A_75 = arith.mulf %mul3A_74, %bitcast_convert_type3A_71 : vector<16xf32>
      %mul3A_76 = arith.mulf %mul3A_75, %bitcast_convert_type3A_71 : vector<16xf32>
      %sub3A_77 = arith.constant 1.500000e+00 : f32
      %sub3A_78 = vector.broadcast %sub3A_77 : f32 to vector<16xf32>
      %sub3A_79 = arith.subf %sub3A_78, %mul3A_76 : vector<16xf32>
      %mul3A_80 = arith.mulf %bitcast_convert_type3A_71, %sub3A_79 : vector<16xf32>
      %mul3A_81 = arith.constant 5.000000e-01 : f32
      %mul3A_82 = vector.broadcast %mul3A_81 : f32 to vector<16xf32>
      %mul3A_83 = arith.mulf %mul3A_82, %max3A_65 : vector<16xf32>
      %mul3A_84 = arith.mulf %mul3A_83, %mul3A_80 : vector<16xf32>
      %mul3A_85 = arith.mulf %mul3A_84, %mul3A_80 : vector<16xf32>
      %sub3A_86 = arith.constant 1.500000e+00 : f32
      %sub3A_87 = vector.broadcast %sub3A_86 : f32 to vector<16xf32>
      %sub3A_88 = arith.subf %sub3A_87, %mul3A_85 : vector<16xf32>
      %mul3A_89 = arith.mulf %mul3A_80, %sub3A_88 : vector<16xf32>
      %mul3A_90 = arith.constant 5.000000e-01 : f32
      %mul3A_91 = vector.broadcast %mul3A_90 : f32 to vector<16xf32>
      %mul3A_92 = arith.mulf %mul3A_91, %max3A_65 : vector<16xf32>
      %mul3A_93 = arith.mulf %mul3A_92, %mul3A_89 : vector<16xf32>
      %mul3A_94 = arith.mulf %mul3A_93, %mul3A_89 : vector<16xf32>
      %sub3A_95 = arith.constant 1.500000e+00 : f32
      %sub3A_96 = vector.broadcast %sub3A_95 : f32 to vector<16xf32>
      %sub3A_97 = arith.subf %sub3A_96, %mul3A_94 : vector<16xf32>
      %mul3A_98 = arith.mulf %mul3A_89, %sub3A_97 : vector<16xf32>
      %mul3A_99 = arith.constant 16 : i32
      %mul3A_100 = arith.muli %scan3A_55, %mul3A_99 : i32
      %get3A_101 = arith.index_cast %mul3A_100 : i32 to index
      %get3A_102 = tpu.vector_load %arg20[%get3A_101] {strides = array<i32>} : memref<10000xf32, #tpu.memory_space<vmem>>, vector<16xf32>,
      %get3A_103 = vector.shape_cast %get3A_102 : vector<16xf32> to vector<16xf32>
      %get3A_104 = arith.index_cast %scan3A_55 : i32 to index
      %get3A_105 = arith.constant 0 : index
      %get3A_106 = tpu.vector_load %arg16[%get3A_104, %get3A_105] {strides = array<i32>} : memref<625x16xf32, #tpu.memory_space<vmem>>, vector<1x16xf32>,
      %get3A_107 = vector.shape_cast %get3A_106 : vector<1x16xf32> to vector<16xf32>
      %mul3A_108 = arith.mulf %mul3A_98, %get3A_107 : vector<16xf32>
      %swap3A = arith.index_cast %scan3A_55 : i32 to index
      %swap3A_109 = arith.constant 0 : index
      %swap3A_110 = tpu.vector_load %arg14[%swap3A, %swap3A_109] {strides = array<i32>} : memref<625x16xf32, #tpu.memory_space<vmem>>, vector<1x16xf32>,
      %swap3A_111 = vector.shape_cast %swap3A_110 : vector<1x16xf32> to vector<16xf32>
      %swap3A_112 = vector.shape_cast %mul3A_108 : vector<16xf32> to vector<1x16xf32>
      tpu.vector_store %arg14[%swap3A, %swap3A_109], %swap3A_112 {strides = array<i32>} : memref<625x16xf32, #tpu.memory_space<vmem>>, vector<1x16xf32>,
      %mul3A_113 = arith.constant 1.000000e-01 : f32
      %mul3A_114 = vector.broadcast %mul3A_113 : f32 to vector<16xf32>
      %mul3A_115 = arith.mulf %mul3A_114, %mul3A_98 : vector<16xf32>
      %mul3A_116 = arith.mulf %mul3A_115, %get3A_103 : vector<16xf32>
      %swap3A_117 = arith.index_cast %scan3A_55 : i32 to index
      %swap3A_118 = arith.constant 0 : index
      %swap3A_119 = tpu.vector_load %arg15[%swap3A_117, %swap3A_118] {strides = array<i32>} : memref<625x16xf32, #tpu.memory_space<vmem>>, vector<1x16xf32>,
      %swap3A_120 = vector.shape_cast %swap3A_119 : vector<1x16xf32> to vector<16xf32>
      %swap3A_121 = vector.shape_cast %mul3A_116 : vector<16xf32> to vector<1x16xf32>
      tpu.vector_store %arg15[%swap3A_117, %swap3A_118], %swap3A_121 {strides = array<i32>} : memref<625x16xf32, #tpu.memory_space<vmem>>, vector<1x16xf32>,
      %mul3A_122 = arith.mulf %mul3A_98, %get3A_103 : vector<16xf32>
      %swap3A_123 = arith.index_cast %scan3A_55 : i32 to index
      %swap3A_124 = arith.constant 0 : index
      %swap3A_125 = tpu.vector_load %arg17[%swap3A_123, %swap3A_124] {strides = array<i32>} : memref<625x16xf32, #tpu.memory_space<vmem>>, vector<1x16xf32>,
      %swap3A_126 = vector.shape_cast %swap3A_125 : vector<1x16xf32> to vector<16xf32>
      %swap3A_127 = vector.shape_cast %mul3A_122 : vector<16xf32> to vector<1x16xf32>
      tpu.vector_store %arg17[%swap3A_123, %swap3A_124], %swap3A_127 {strides = array<i32>} : memref<625x16xf32, #tpu.memory_space<vmem>>, vector<1x16xf32>,
    }
    %scan3A_45 = arith.constant 625 : i32
    "tpu.region"() ({
      %run_scoped3A = tpu.sem_alloc : memref<!tpu.dma_semaphore, #tpu.memory_space<semaphore_mem>>
      %dma_start3A = arith.constant 0 : i32
      %dma_start3A_55 = tpu.memref_slice %arg8[%mul3A_3, %dma_start3A] : memref<10008x16xf32, #tpu.memory_space<vmem_shared>> -> memref<625x16xf32, #tpu.memory_space<vmem_shared>>
      %dma_start3A_56 = arith.constant 0 : i32
      %dma_start3A_57 = tpu.memref_slice %arg8[%mul3A_3, %dma_start3A_56] : memref<10008x16xf32, #tpu.memory_space<vmem_shared>> -> memref<625x16xf32, #tpu.memory_space<vmem_shared>>
      tpu.enqueue_dma source(%arg17 : memref<625x16xf32, #tpu.memory_space<vmem>>) target(%dma_start3A_57 : memref<625x16xf32, #tpu.memory_space<vmem_shared>>) target_semaphore(%run_scoped3A : memref<!tpu.dma_semaphore, #tpu.memory_space<semaphore_mem>>)
      %dma_wait3A = arith.constant 0 : i32
      %dma_wait3A_58 = tpu.memref_slice %arg8[%mul3A_3, %dma_wait3A] : memref<10008x16xf32, #tpu.memory_space<vmem_shared>> -> memref<625x16xf32, #tpu.memory_space<vmem_shared>>
      %dma_wait3A_59 = arith.constant 0 : i32
      %dma_wait3A_60 = tpu.memref_slice %arg8[%mul3A_3, %dma_wait3A_59] : memref<10008x16xf32, #tpu.memory_space<vmem_shared>> -> memref<625x16xf32, #tpu.memory_space<vmem_shared>>
      tpu.wait_dma2 semaphore(%run_scoped3A : memref<!tpu.dma_semaphore, #tpu.memory_space<semaphore_mem>>) src(%arg17 : memref<625x16xf32, #tpu.memory_space<vmem>>) dst(%dma_wait3A_60 : memref<625x16xf32, #tpu.memory_space<vmem_shared>>)
      tpu.yield
    }) : () -> ()
    "tpu.region"() ({
      %run_scoped3A = tpu.sem_alloc : memref<!tpu.dma_semaphore, #tpu.memory_space<semaphore_mem>>
      %dma_start3A = arith.constant 0 : i32
      %dma_start3A_55 = tpu.memref_slice %arg9[%mul3A_3, %dma_start3A] : memref<10008x16xf32, #tpu.memory_space<vmem_shared>> -> memref<625x16xf32, #tpu.memory_space<vmem_shared>>
      %dma_start3A_56 = arith.constant 0 : i32
      %dma_start3A_57 = tpu.memref_slice %arg9[%mul3A_3, %dma_start3A_56] : memref<10008x16xf32, #tpu.memory_space<vmem_shared>> -> memref<625x16xf32, #tpu.memory_space<vmem_shared>>
      tpu.enqueue_dma source(%arg19 : memref<625x16xf32, #tpu.memory_space<vmem>>) target(%dma_start3A_57 : memref<625x16xf32, #tpu.memory_space<vmem_shared>>) target_semaphore(%run_scoped3A : memref<!tpu.dma_semaphore, #tpu.memory_space<semaphore_mem>>)
      %dma_wait3A = arith.constant 0 : i32
      %dma_wait3A_58 = tpu.memref_slice %arg9[%mul3A_3, %dma_wait3A] : memref<10008x16xf32, #tpu.memory_space<vmem_shared>> -> memref<625x16xf32, #tpu.memory_space<vmem_shared>>
      %dma_wait3A_59 = arith.constant 0 : i32
      %dma_wait3A_60 = tpu.memref_slice %arg9[%mul3A_3, %dma_wait3A_59] : memref<10008x16xf32, #tpu.memory_space<vmem_shared>> -> memref<625x16xf32, #tpu.memory_space<vmem_shared>>
      tpu.wait_dma2 semaphore(%run_scoped3A : memref<!tpu.dma_semaphore, #tpu.memory_space<semaphore_mem>>) src(%arg19 : memref<625x16xf32, #tpu.memory_space<vmem>>) dst(%dma_wait3A_60 : memref<625x16xf32, #tpu.memory_space<vmem_shared>>)
      tpu.yield
    }) : () -> ()
    %barrier3A_46 = arith.constant 0 : index
    tpu.barrier barrier_id(%barrier3A_46)
    %scan3A_47 = arith.constant 0 : i32
    %scan3A_48 = arith.constant 0 : i32
    %scan3A_49 = arith.constant 10 : i32
    %scan3A_50 = arith.addi %scan3A_48, %scan3A_49 : i32
    %scan3A_51 = arith.constant 1 : i32
    scf.for %scan3A_55 = %scan3A_48 to %scan3A_50 step %scan3A_51  : i32 {
      %scan3A_56 = arith.constant 0 : i32
      %scan3A_57 = arith.constant 0 : i32
      %scan3A_58 = arith.constant 20 : i32
      %scan3A_59 = arith.addi %scan3A_57, %scan3A_58 : i32
      %scan3A_60 = arith.constant 1 : i32
      scf.for %scan3A_82 = %scan3A_57 to %scan3A_59 step %scan3A_60  : i32 {
        %mul3A_83 = arith.constant 2 : i32
        %mul3A_84 = arith.muli %mul3A_83, %scan3A_82 : i32
        %add3A_85 = arith.constant 1 : i32
        %add3A_86 = arith.addi %mul3A_84, %add3A_85 : i32
        %gt3A = arith.constant 0 : i32
        %gt3A_87 = arith.cmpi sgt, %scan3A_82, %gt3A : i32
        %convert_element_type3A_88 = arith.extui %gt3A_87 : i1 to i32
        %cond3A_89 = arith.constant 0 : i32
        %cond3A_90 = arith.cmpi ne, %convert_element_type3A_88, %cond3A_89 : i32
        scf.if %cond3A_90 {
          %dma_wait3A_131 = arith.constant 0 : i32
          %dma_wait3A_132 = arith.constant 0 : i32
          %dma_wait3A_133 = tpu.memref_slice %arg11[%dma_wait3A_131, %dma_wait3A_132] : memref<40x256xi32, #tpu.memory_space<vmem>> -> memref<1x256xi32, #tpu.memory_space<vmem>>
          %dma_wait3A_134 = tpu.memref_squeeze %dma_wait3A_133 : memref<1x256xi32, #tpu.memory_space<vmem>> -> memref<256xi32, #tpu.memory_space<vmem>>
          %dma_wait3A_135 = arith.constant 0 : i32
          %dma_wait3A_136 = arith.constant 0 : i32
          %dma_wait3A_137 = tpu.memref_slice %arg9[%dma_wait3A_135, %dma_wait3A_136] : memref<10008x16xf32, #tpu.memory_space<vmem_shared>> -> memref<10008x16xf32, #tpu.memory_space<vmem_shared>>
          tpu.wait_indirect_dma semaphore(%arg22 : memref<!tpu.dma_semaphore, #tpu.memory_space<semaphore_mem>>) src(%arg12 : memref<256x16xf32, #tpu.memory_space<vmem>>) dst(%dma_wait3A_137 : memref<10008x16xf32, #tpu.memory_space<vmem_shared>>)
        } else {
        }
        %dma_start3A = arith.constant 0 : i32
        %dma_start3A_91 = tpu.memref_slice %arg10[%mul3A_84, %dma_start3A] : memref<40x256xi32, #tpu.memory_space<vmem>> -> memref<1x256xi32, #tpu.memory_space<vmem>>
        %dma_start3A_92 = tpu.memref_squeeze %dma_start3A_91 : memref<1x256xi32, #tpu.memory_space<vmem>> -> memref<256xi32, #tpu.memory_space<vmem>>
        %dma_start3A_93 = arith.constant 0 : i32
        %dma_start3A_94 = arith.constant 0 : i32
        %dma_start3A_95 = tpu.memref_slice %arg8[%dma_start3A_93, %dma_start3A_94] : memref<10008x16xf32, #tpu.memory_space<vmem_shared>> -> memref<10008x16xf32, #tpu.memory_space<vmem_shared>>
        tpu.enqueue_indirect_dma source(%dma_start3A_95 : memref<10008x16xf32, #tpu.memory_space<vmem_shared>>) target(%arg12 : memref<256x16xf32, #tpu.memory_space<vmem>>) offsets(%dma_start3A_92 : memref<256xi32, #tpu.memory_space<vmem>>) semaphore(%arg21 : memref<!tpu.dma_semaphore, #tpu.memory_space<semaphore_mem>>)
        %dma_wait3A_96 = arith.constant 0 : i32
        %dma_wait3A_97 = tpu.memref_slice %arg10[%mul3A_84, %dma_wait3A_96] : memref<40x256xi32, #tpu.memory_space<vmem>> -> memref<1x256xi32, #tpu.memory_space<vmem>>
        %dma_wait3A_98 = tpu.memref_squeeze %dma_wait3A_97 : memref<1x256xi32, #tpu.memory_space<vmem>> -> memref<256xi32, #tpu.memory_space<vmem>>
        %dma_wait3A_99 = arith.constant 0 : i32
        %dma_wait3A_100 = arith.constant 0 : i32
        %dma_wait3A_101 = tpu.memref_slice %arg8[%dma_wait3A_99, %dma_wait3A_100] : memref<10008x16xf32, #tpu.memory_space<vmem_shared>> -> memref<10008x16xf32, #tpu.memory_space<vmem_shared>>
        tpu.wait_indirect_dma semaphore(%arg21 : memref<!tpu.dma_semaphore, #tpu.memory_space<semaphore_mem>>) src(%dma_wait3A_101 : memref<10008x16xf32, #tpu.memory_space<vmem_shared>>) dst(%arg12 : memref<256x16xf32, #tpu.memory_space<vmem>>)
        %dma_start3A_102 = arith.constant 0 : i32
        %dma_start3A_103 = tpu.memref_slice %arg11[%mul3A_84, %dma_start3A_102] : memref<40x256xi32, #tpu.memory_space<vmem>> -> memref<1x256xi32, #tpu.memory_space<vmem>>
        %dma_start3A_104 = tpu.memref_squeeze %dma_start3A_103 : memref<1x256xi32, #tpu.memory_space<vmem>> -> memref<256xi32, #tpu.memory_space<vmem>>
        %dma_start3A_105 = arith.constant 0 : i32
        %dma_start3A_106 = arith.constant 0 : i32
        %dma_start3A_107 = tpu.memref_slice %arg9[%dma_start3A_105, %dma_start3A_106] : memref<10008x16xf32, #tpu.memory_space<vmem_shared>> -> memref<10008x16xf32, #tpu.memory_space<vmem_shared>>
        tpu.enqueue_indirect_dma source(%arg12 : memref<256x16xf32, #tpu.memory_space<vmem>>) target(%dma_start3A_107 : memref<10008x16xf32, #tpu.memory_space<vmem_shared>>) offsets(%dma_start3A_104 : memref<256xi32, #tpu.memory_space<vmem>>) semaphore(%arg22 : memref<!tpu.dma_semaphore, #tpu.memory_space<semaphore_mem>>) {add = true}
        %gt3A_108 = arith.constant 0 : i32
        %gt3A_109 = arith.cmpi sgt, %scan3A_82, %gt3A_108 : i32
        %convert_element_type3A_110 = arith.extui %gt3A_109 : i1 to i32
        %cond3A_111 = arith.constant 0 : i32
        %cond3A_112 = arith.cmpi ne, %convert_element_type3A_110, %cond3A_111 : i32
        scf.if %cond3A_112 {
          %dma_wait3A_131 = arith.constant 0 : i32
          %dma_wait3A_132 = arith.constant 0 : i32
          %dma_wait3A_133 = tpu.memref_slice %arg11[%dma_wait3A_131, %dma_wait3A_132] : memref<40x256xi32, #tpu.memory_space<vmem>> -> memref<1x256xi32, #tpu.memory_space<vmem>>
          %dma_wait3A_134 = tpu.memref_squeeze %dma_wait3A_133 : memref<1x256xi32, #tpu.memory_space<vmem>> -> memref<256xi32, #tpu.memory_space<vmem>>
          %dma_wait3A_135 = arith.constant 0 : i32
          %dma_wait3A_136 = arith.constant 0 : i32
          %dma_wait3A_137 = tpu.memref_slice %arg9[%dma_wait3A_135, %dma_wait3A_136] : memref<10008x16xf32, #tpu.memory_space<vmem_shared>> -> memref<10008x16xf32, #tpu.memory_space<vmem_shared>>
          tpu.wait_indirect_dma semaphore(%arg23 : memref<!tpu.dma_semaphore, #tpu.memory_space<semaphore_mem>>) src(%arg13 : memref<256x16xf32, #tpu.memory_space<vmem>>) dst(%dma_wait3A_137 : memref<10008x16xf32, #tpu.memory_space<vmem_shared>>)
        } else {
        }
        %dma_start3A_113 = arith.constant 0 : i32
        %dma_start3A_114 = tpu.memref_slice %arg10[%add3A_86, %dma_start3A_113] : memref<40x256xi32, #tpu.memory_space<vmem>> -> memref<1x256xi32, #tpu.memory_space<vmem>>
        %dma_start3A_115 = tpu.memref_squeeze %dma_start3A_114 : memref<1x256xi32, #tpu.memory_space<vmem>> -> memref<256xi32, #tpu.memory_space<vmem>>
        %dma_start3A_116 = arith.constant 0 : i32
        %dma_start3A_117 = arith.constant 0 : i32
        %dma_start3A_118 = tpu.memref_slice %arg8[%dma_start3A_116, %dma_start3A_117] : memref<10008x16xf32, #tpu.memory_space<vmem_shared>> -> memref<10008x16xf32, #tpu.memory_space<vmem_shared>>
        tpu.enqueue_indirect_dma source(%dma_start3A_118 : memref<10008x16xf32, #tpu.memory_space<vmem_shared>>) target(%arg13 : memref<256x16xf32, #tpu.memory_space<vmem>>) offsets(%dma_start3A_115 : memref<256xi32, #tpu.memory_space<vmem>>) semaphore(%arg21 : memref<!tpu.dma_semaphore, #tpu.memory_space<semaphore_mem>>)
        %dma_wait3A_119 = arith.constant 0 : i32
        %dma_wait3A_120 = tpu.memref_slice %arg10[%add3A_86, %dma_wait3A_119] : memref<40x256xi32, #tpu.memory_space<vmem>> -> memref<1x256xi32, #tpu.memory_space<vmem>>
        %dma_wait3A_121 = tpu.memref_squeeze %dma_wait3A_120 : memref<1x256xi32, #tpu.memory_space<vmem>> -> memref<256xi32, #tpu.memory_space<vmem>>
        %dma_wait3A_122 = arith.constant 0 : i32
        %dma_wait3A_123 = arith.constant 0 : i32
        %dma_wait3A_124 = tpu.memref_slice %arg8[%dma_wait3A_122, %dma_wait3A_123] : memref<10008x16xf32, #tpu.memory_space<vmem_shared>> -> memref<10008x16xf32, #tpu.memory_space<vmem_shared>>
        tpu.wait_indirect_dma semaphore(%arg21 : memref<!tpu.dma_semaphore, #tpu.memory_space<semaphore_mem>>) src(%dma_wait3A_124 : memref<10008x16xf32, #tpu.memory_space<vmem_shared>>) dst(%arg13 : memref<256x16xf32, #tpu.memory_space<vmem>>)
        %dma_start3A_125 = arith.constant 0 : i32
        %dma_start3A_126 = tpu.memref_slice %arg11[%add3A_86, %dma_start3A_125] : memref<40x256xi32, #tpu.memory_space<vmem>> -> memref<1x256xi32, #tpu.memory_space<vmem>>
        %dma_start3A_127 = tpu.memref_squeeze %dma_start3A_126 : memref<1x256xi32, #tpu.memory_space<vmem>> -> memref<256xi32, #tpu.memory_space<vmem>>
        %dma_start3A_128 = arith.constant 0 : i32
        %dma_start3A_129 = arith.constant 0 : i32
        %dma_start3A_130 = tpu.memref_slice %arg9[%dma_start3A_128, %dma_start3A_129] : memref<10008x16xf32, #tpu.memory_space<vmem_shared>> -> memref<10008x16xf32, #tpu.memory_space<vmem_shared>>
        tpu.enqueue_indirect_dma source(%arg13 : memref<256x16xf32, #tpu.memory_space<vmem>>) target(%dma_start3A_130 : memref<10008x16xf32, #tpu.memory_space<vmem_shared>>) offsets(%dma_start3A_127 : memref<256xi32, #tpu.memory_space<vmem>>) semaphore(%arg23 : memref<!tpu.dma_semaphore, #tpu.memory_space<semaphore_mem>>) {add = true}
      }
      %scan3A_61 = arith.constant 20 : i32
      %dma_wait3A = arith.constant 0 : i32
      %dma_wait3A_62 = arith.constant 0 : i32
      %dma_wait3A_63 = tpu.memref_slice %arg11[%dma_wait3A, %dma_wait3A_62] : memref<40x256xi32, #tpu.memory_space<vmem>> -> memref<1x256xi32, #tpu.memory_space<vmem>>
      %dma_wait3A_64 = tpu.memref_squeeze %dma_wait3A_63 : memref<1x256xi32, #tpu.memory_space<vmem>> -> memref<256xi32, #tpu.memory_space<vmem>>
      %dma_wait3A_65 = arith.constant 0 : i32
      %dma_wait3A_66 = arith.constant 0 : i32
      %dma_wait3A_67 = tpu.memref_slice %arg9[%dma_wait3A_65, %dma_wait3A_66] : memref<10008x16xf32, #tpu.memory_space<vmem_shared>> -> memref<10008x16xf32, #tpu.memory_space<vmem_shared>>
      tpu.wait_indirect_dma semaphore(%arg22 : memref<!tpu.dma_semaphore, #tpu.memory_space<semaphore_mem>>) src(%arg12 : memref<256x16xf32, #tpu.memory_space<vmem>>) dst(%dma_wait3A_67 : memref<10008x16xf32, #tpu.memory_space<vmem_shared>>)
      %dma_wait3A_68 = arith.constant 0 : i32
      %dma_wait3A_69 = arith.constant 0 : i32
      %dma_wait3A_70 = tpu.memref_slice %arg11[%dma_wait3A_68, %dma_wait3A_69] : memref<40x256xi32, #tpu.memory_space<vmem>> -> memref<1x256xi32, #tpu.memory_space<vmem>>
      %dma_wait3A_71 = tpu.memref_squeeze %dma_wait3A_70 : memref<1x256xi32, #tpu.memory_space<vmem>> -> memref<256xi32, #tpu.memory_space<vmem>>
      %dma_wait3A_72 = arith.constant 0 : i32
      %dma_wait3A_73 = arith.constant 0 : i32
      %dma_wait3A_74 = tpu.memref_slice %arg9[%dma_wait3A_72, %dma_wait3A_73] : memref<10008x16xf32, #tpu.memory_space<vmem_shared>> -> memref<10008x16xf32, #tpu.memory_space<vmem_shared>>
      tpu.wait_indirect_dma semaphore(%arg23 : memref<!tpu.dma_semaphore, #tpu.memory_space<semaphore_mem>>) src(%arg13 : memref<256x16xf32, #tpu.memory_space<vmem>>) dst(%dma_wait3A_74 : memref<10008x16xf32, #tpu.memory_space<vmem_shared>>)
      %barrier3A_75 = arith.constant 0 : index
      tpu.barrier barrier_id(%barrier3A_75)
      "tpu.region"() ({
        %run_scoped3A = tpu.sem_alloc : memref<!tpu.dma_semaphore, #tpu.memory_space<semaphore_mem>>
        %dma_start3A = arith.constant 0 : i32
        %dma_start3A_82 = tpu.memref_slice %arg6[%arg0, %mul3A_3, %dma_start3A] : memref<2x10008x16xf32, #tpu.memory_space<hbm>> -> memref<1x625x16xf32, #tpu.memory_space<hbm>>
        %dma_start3A_83 = tpu.memref_squeeze %dma_start3A_82 : memref<1x625x16xf32, #tpu.memory_space<hbm>> -> memref<625x16xf32, #tpu.memory_space<hbm>>
        %dma_start3A_84 = arith.constant 0 : i32
        %dma_start3A_85 = tpu.memref_slice %arg9[%mul3A_3, %dma_start3A_84] : memref<10008x16xf32, #tpu.memory_space<vmem_shared>> -> memref<625x16xf32, #tpu.memory_space<vmem_shared>>
        tpu.enqueue_dma source(%dma_start3A_85 : memref<625x16xf32, #tpu.memory_space<vmem_shared>>) target(%dma_start3A_83 : memref<625x16xf32, #tpu.memory_space<hbm>>) target_semaphore(%run_scoped3A : memref<!tpu.dma_semaphore, #tpu.memory_space<semaphore_mem>>)
        %dma_wait3A_86 = arith.constant 0 : i32
        %dma_wait3A_87 = tpu.memref_slice %arg6[%arg0, %mul3A_3, %dma_wait3A_86] : memref<2x10008x16xf32, #tpu.memory_space<hbm>> -> memref<1x625x16xf32, #tpu.memory_space<hbm>>
        %dma_wait3A_88 = tpu.memref_squeeze %dma_wait3A_87 : memref<1x625x16xf32, #tpu.memory_space<hbm>> -> memref<625x16xf32, #tpu.memory_space<hbm>>
        %dma_wait3A_89 = arith.constant 0 : i32
        %dma_wait3A_90 = tpu.memref_slice %arg9[%mul3A_3, %dma_wait3A_89] : memref<10008x16xf32, #tpu.memory_space<vmem_shared>> -> memref<625x16xf32, #tpu.memory_space<vmem_shared>>
        tpu.wait_dma2 semaphore(%run_scoped3A : memref<!tpu.dma_semaphore, #tpu.memory_space<semaphore_mem>>) src(%dma_wait3A_90 : memref<625x16xf32, #tpu.memory_space<vmem_shared>>) dst(%dma_wait3A_88 : memref<625x16xf32, #tpu.memory_space<hbm>>)
        tpu.yield
      }) : () -> ()
      %barrier3A_76 = arith.constant 0 : index
      tpu.barrier barrier_id(%barrier3A_76)
      %lt3A = arith.constant 9 : i32
      %lt3A_77 = arith.cmpi slt, %scan3A_55, %lt3A : i32
      %convert_element_type3A_78 = arith.extui %lt3A_77 : i1 to i32
      %cond3A_79 = arith.constant 0 : i32
      %cond3A_80 = arith.cmpi ne, %convert_element_type3A_78, %cond3A_79 : i32
      scf.if %cond3A_80 {
        %dma_start3A = arith.constant 0 : i32
        %dma_start3A_82 = tpu.memref_slice %arg9[%mul3A_3, %dma_start3A] : memref<10008x16xf32, #tpu.memory_space<vmem_shared>> -> memref<625x16xf32, #tpu.memory_space<vmem_shared>>
        %dma_start3A_83 = arith.constant 0 : i32
        %dma_start3A_84 = tpu.memref_slice %arg9[%mul3A_3, %dma_start3A_83] : memref<10008x16xf32, #tpu.memory_space<vmem_shared>> -> memref<625x16xf32, #tpu.memory_space<vmem_shared>>
        tpu.enqueue_dma source(%dma_start3A_84 : memref<625x16xf32, #tpu.memory_space<vmem_shared>>) target(%arg17 : memref<625x16xf32, #tpu.memory_space<vmem>>) target_semaphore(%arg21 : memref<!tpu.dma_semaphore, #tpu.memory_space<semaphore_mem>>)
        %dma_wait3A_85 = arith.constant 0 : i32
        %dma_wait3A_86 = tpu.memref_slice %arg9[%mul3A_3, %dma_wait3A_85] : memref<10008x16xf32, #tpu.memory_space<vmem_shared>> -> memref<625x16xf32, #tpu.memory_space<vmem_shared>>
        %dma_wait3A_87 = arith.constant 0 : i32
        %dma_wait3A_88 = tpu.memref_slice %arg9[%mul3A_3, %dma_wait3A_87] : memref<10008x16xf32, #tpu.memory_space<vmem_shared>> -> memref<625x16xf32, #tpu.memory_space<vmem_shared>>
        tpu.wait_dma2 semaphore(%arg21 : memref<!tpu.dma_semaphore, #tpu.memory_space<semaphore_mem>>) src(%dma_wait3A_88 : memref<625x16xf32, #tpu.memory_space<vmem_shared>>) dst(%arg17 : memref<625x16xf32, #tpu.memory_space<vmem>>)
        %dma_start3A_89 = arith.constant 0 : i32
        %dma_start3A_90 = tpu.memref_slice %arg6[%sub3A_1, %mul3A_3, %dma_start3A_89] : memref<2x10008x16xf32, #tpu.memory_space<hbm>> -> memref<1x625x16xf32, #tpu.memory_space<hbm>>
        %dma_start3A_91 = tpu.memref_squeeze %dma_start3A_90 : memref<1x625x16xf32, #tpu.memory_space<hbm>> -> memref<625x16xf32, #tpu.memory_space<hbm>>
        %dma_start3A_92 = arith.constant 0 : i32
        %dma_start3A_93 = tpu.memref_slice %arg6[%sub3A_1, %mul3A_3, %dma_start3A_92] : memref<2x10008x16xf32, #tpu.memory_space<hbm>> -> memref<1x625x16xf32, #tpu.memory_space<hbm>>
        %dma_start3A_94 = tpu.memref_squeeze %dma_start3A_93 : memref<1x625x16xf32, #tpu.memory_space<hbm>> -> memref<625x16xf32, #tpu.memory_space<hbm>>
        tpu.enqueue_dma source(%dma_start3A_94 : memref<625x16xf32, #tpu.memory_space<hbm>>) target(%arg18 : memref<625x16xf32, #tpu.memory_space<vmem>>) target_semaphore(%arg23 : memref<!tpu.dma_semaphore, #tpu.memory_space<semaphore_mem>>)
        %dma_wait3A_95 = arith.constant 0 : i32
        %dma_wait3A_96 = tpu.memref_slice %arg6[%sub3A_1, %mul3A_3, %dma_wait3A_95] : memref<2x10008x16xf32, #tpu.memory_space<hbm>> -> memref<1x625x16xf32, #tpu.memory_space<hbm>>
        %dma_wait3A_97 = tpu.memref_squeeze %dma_wait3A_96 : memref<1x625x16xf32, #tpu.memory_space<hbm>> -> memref<625x16xf32, #tpu.memory_space<hbm>>
        %dma_wait3A_98 = arith.constant 0 : i32
        %dma_wait3A_99 = tpu.memref_slice %arg6[%sub3A_1, %mul3A_3, %dma_wait3A_98] : memref<2x10008x16xf32, #tpu.memory_space<hbm>> -> memref<1x625x16xf32, #tpu.memory_space<hbm>>
        %dma_wait3A_100 = tpu.memref_squeeze %dma_wait3A_99 : memref<1x625x16xf32, #tpu.memory_space<hbm>> -> memref<625x16xf32, #tpu.memory_space<hbm>>
        tpu.wait_dma2 semaphore(%arg23 : memref<!tpu.dma_semaphore, #tpu.memory_space<semaphore_mem>>) src(%dma_wait3A_100 : memref<625x16xf32, #tpu.memory_space<hbm>>) dst(%arg18 : memref<625x16xf32, #tpu.memory_space<vmem>>)
        %dma_start3A_101 = arith.constant 0 : i32
        %dma_start3A_102 = tpu.memref_slice %arg9[%mul3A_3, %dma_start3A_101] : memref<10008x16xf32, #tpu.memory_space<vmem_shared>> -> memref<625x16xf32, #tpu.memory_space<vmem_shared>>
        %dma_start3A_103 = arith.constant 0 : i32
        %dma_start3A_104 = tpu.memref_slice %arg9[%mul3A_3, %dma_start3A_103] : memref<10008x16xf32, #tpu.memory_space<vmem_shared>> -> memref<625x16xf32, #tpu.memory_space<vmem_shared>>
        tpu.enqueue_dma source(%arg19 : memref<625x16xf32, #tpu.memory_space<vmem>>) target(%dma_start3A_104 : memref<625x16xf32, #tpu.memory_space<vmem_shared>>) target_semaphore(%arg22 : memref<!tpu.dma_semaphore, #tpu.memory_space<semaphore_mem>>)
        %scan3A_105 = arith.constant 0 : i32
        %scan3A_106 = arith.constant 0 : i32
        %scan3A_107 = arith.constant 624 : i32
        %scan3A_108 = arith.addi %scan3A_106, %scan3A_107 : i32
        %scan3A_109 = arith.constant 8 : i32
        scf.for %scan3A_147 = %scan3A_106 to %scan3A_108 step %scan3A_109  : i32 {
          %get3A_148 = arith.index_cast %scan3A_147 : i32 to index
          %get3A_149 = arith.constant 0 : index
          %get3A_150 = tpu.vector_load %arg17[%get3A_148, %get3A_149] {strides = array<i32>} : memref<625x16xf32, #tpu.memory_space<vmem>>, vector<1x16xf32>,
          %get3A_151 = vector.shape_cast %get3A_150 : vector<1x16xf32> to vector<16xf32>
          %get3A_152 = arith.index_cast %scan3A_147 : i32 to index
          %get3A_153 = arith.constant 0 : index
          %get3A_154 = tpu.vector_load %arg18[%get3A_152, %get3A_153] {strides = array<i32>} : memref<625x16xf32, #tpu.memory_space<vmem>>, vector<1x16xf32>,
          %get3A_155 = vector.shape_cast %get3A_154 : vector<1x16xf32> to vector<16xf32>
          %add3A_156 = arith.addf %get3A_151, %get3A_155 : vector<16xf32>
          %get3A_157 = arith.index_cast %scan3A_147 : i32 to index
          %get3A_158 = arith.constant 0 : index
          %get3A_159 = tpu.vector_load %arg14[%get3A_157, %get3A_158] {strides = array<i32>} : memref<625x16xf32, #tpu.memory_space<vmem>>, vector<1x16xf32>,
          %get3A_160 = vector.shape_cast %get3A_159 : vector<1x16xf32> to vector<16xf32>
          %mul3A_161 = arith.mulf %add3A_156, %get3A_160 : vector<16xf32>
          %get3A_162 = arith.index_cast %scan3A_147 : i32 to index
          %get3A_163 = arith.constant 0 : index
          %get3A_164 = tpu.vector_load %arg15[%get3A_162, %get3A_163] {strides = array<i32>} : memref<625x16xf32, #tpu.memory_space<vmem>>, vector<1x16xf32>,
          %get3A_165 = vector.shape_cast %get3A_164 : vector<1x16xf32> to vector<16xf32>
          %add3A_166 = arith.addf %mul3A_161, %get3A_165 : vector<16xf32>
          %swap3A_167 = arith.index_cast %scan3A_147 : i32 to index
          %swap3A_168 = arith.constant 0 : index
          %swap3A_169 = tpu.vector_load %arg17[%swap3A_167, %swap3A_168] {strides = array<i32>} : memref<625x16xf32, #tpu.memory_space<vmem>>, vector<1x16xf32>,
          %swap3A_170 = vector.shape_cast %swap3A_169 : vector<1x16xf32> to vector<16xf32>
          %swap3A_171 = vector.shape_cast %add3A_166 : vector<16xf32> to vector<1x16xf32>
          tpu.vector_store %arg17[%swap3A_167, %swap3A_168], %swap3A_171 {strides = array<i32>} : memref<625x16xf32, #tpu.memory_space<vmem>>, vector<1x16xf32>,
          %scan3A_172 = arith.constant 1 : i32
          %scan3A_173 = arith.addi %scan3A_147, %scan3A_172 : i32
          %get3A_174 = arith.index_cast %scan3A_173 : i32 to index
          %get3A_175 = arith.constant 0 : index
          %get3A_176 = tpu.vector_load %arg17[%get3A_174, %get3A_175] {strides = array<i32>} : memref<625x16xf32, #tpu.memory_space<vmem>>, vector<1x16xf32>,
          %get3A_177 = vector.shape_cast %get3A_176 : vector<1x16xf32> to vector<16xf32>
          %get3A_178 = arith.index_cast %scan3A_173 : i32 to index
          %get3A_179 = arith.constant 0 : index
          %get3A_180 = tpu.vector_load %arg18[%get3A_178, %get3A_179] {strides = array<i32>} : memref<625x16xf32, #tpu.memory_space<vmem>>, vector<1x16xf32>,
          %get3A_181 = vector.shape_cast %get3A_180 : vector<1x16xf32> to vector<16xf32>
          %add3A_182 = arith.addf %get3A_177, %get3A_181 : vector<16xf32>
          %get3A_183 = arith.index_cast %scan3A_173 : i32 to index
          %get3A_184 = arith.constant 0 : index
          %get3A_185 = tpu.vector_load %arg14[%get3A_183, %get3A_184] {strides = array<i32>} : memref<625x16xf32, #tpu.memory_space<vmem>>, vector<1x16xf32>,
          %get3A_186 = vector.shape_cast %get3A_185 : vector<1x16xf32> to vector<16xf32>
          %mul3A_187 = arith.mulf %add3A_182, %get3A_186 : vector<16xf32>
          %get3A_188 = arith.index_cast %scan3A_173 : i32 to index
          %get3A_189 = arith.constant 0 : index
          %get3A_190 = tpu.vector_load %arg15[%get3A_188, %get3A_189] {strides = array<i32>} : memref<625x16xf32, #tpu.memory_space<vmem>>, vector<1x16xf32>,
          %get3A_191 = vector.shape_cast %get3A_190 : vector<1x16xf32> to vector<16xf32>
          %add3A_192 = arith.addf %mul3A_187, %get3A_191 : vector<16xf32>
          %swap3A_193 = arith.index_cast %scan3A_173 : i32 to index
          %swap3A_194 = arith.constant 0 : index
          %swap3A_195 = tpu.vector_load %arg17[%swap3A_193, %swap3A_194] {strides = array<i32>} : memref<625x16xf32, #tpu.memory_space<vmem>>, vector<1x16xf32>,
          %swap3A_196 = vector.shape_cast %swap3A_195 : vector<1x16xf32> to vector<16xf32>
          %swap3A_197 = vector.shape_cast %add3A_192 : vector<16xf32> to vector<1x16xf32>
          tpu.vector_store %arg17[%swap3A_193, %swap3A_194], %swap3A_197 {strides = array<i32>} : memref<625x16xf32, #tpu.memory_space<vmem>>, vector<1x16xf32>,
          %scan3A_198 = arith.constant 2 : i32
          %scan3A_199 = arith.addi %scan3A_147, %scan3A_198 : i32
          %get3A_200 = arith.index_cast %scan3A_199 : i32 to index
          %get3A_201 = arith.constant 0 : index
          %get3A_202 = tpu.vector_load %arg17[%get3A_200, %get3A_201] {strides = array<i32>} : memref<625x16xf32, #tpu.memory_space<vmem>>, vector<1x16xf32>,
          %get3A_203 = vector.shape_cast %get3A_202 : vector<1x16xf32> to vector<16xf32>
          %get3A_204 = arith.index_cast %scan3A_199 : i32 to index
          %get3A_205 = arith.constant 0 : index
          %get3A_206 = tpu.vector_load %arg18[%get3A_204, %get3A_205] {strides = array<i32>} : memref<625x16xf32, #tpu.memory_space<vmem>>, vector<1x16xf32>,
          %get3A_207 = vector.shape_cast %get3A_206 : vector<1x16xf32> to vector<16xf32>
          %add3A_208 = arith.addf %get3A_203, %get3A_207 : vector<16xf32>
          %get3A_209 = arith.index_cast %scan3A_199 : i32 to index
          %get3A_210 = arith.constant 0 : index
          %get3A_211 = tpu.vector_load %arg14[%get3A_209, %get3A_210] {strides = array<i32>} : memref<625x16xf32, #tpu.memory_space<vmem>>, vector<1x16xf32>,
          %get3A_212 = vector.shape_cast %get3A_211 : vector<1x16xf32> to vector<16xf32>
          %mul3A_213 = arith.mulf %add3A_208, %get3A_212 : vector<16xf32>
          %get3A_214 = arith.index_cast %scan3A_199 : i32 to index
          %get3A_215 = arith.constant 0 : index
          %get3A_216 = tpu.vector_load %arg15[%get3A_214, %get3A_215] {strides = array<i32>} : memref<625x16xf32, #tpu.memory_space<vmem>>, vector<1x16xf32>,
          %get3A_217 = vector.shape_cast %get3A_216 : vector<1x16xf32> to vector<16xf32>
          %add3A_218 = arith.addf %mul3A_213, %get3A_217 : vector<16xf32>
          %swap3A_219 = arith.index_cast %scan3A_199 : i32 to index
          %swap3A_220 = arith.constant 0 : index
          %swap3A_221 = tpu.vector_load %arg17[%swap3A_219, %swap3A_220] {strides = array<i32>} : memref<625x16xf32, #tpu.memory_space<vmem>>, vector<1x16xf32>,
          %swap3A_222 = vector.shape_cast %swap3A_221 : vector<1x16xf32> to vector<16xf32>
          %swap3A_223 = vector.shape_cast %add3A_218 : vector<16xf32> to vector<1x16xf32>
          tpu.vector_store %arg17[%swap3A_219, %swap3A_220], %swap3A_223 {strides = array<i32>} : memref<625x16xf32, #tpu.memory_space<vmem>>, vector<1x16xf32>,
          %scan3A_224 = arith.constant 3 : i32
          %scan3A_225 = arith.addi %scan3A_147, %scan3A_224 : i32
          %get3A_226 = arith.index_cast %scan3A_225 : i32 to index
          %get3A_227 = arith.constant 0 : index
          %get3A_228 = tpu.vector_load %arg17[%get3A_226, %get3A_227] {strides = array<i32>} : memref<625x16xf32, #tpu.memory_space<vmem>>, vector<1x16xf32>,
          %get3A_229 = vector.shape_cast %get3A_228 : vector<1x16xf32> to vector<16xf32>
          %get3A_230 = arith.index_cast %scan3A_225 : i32 to index
          %get3A_231 = arith.constant 0 : index
          %get3A_232 = tpu.vector_load %arg18[%get3A_230, %get3A_231] {strides = array<i32>} : memref<625x16xf32, #tpu.memory_space<vmem>>, vector<1x16xf32>,
          %get3A_233 = vector.shape_cast %get3A_232 : vector<1x16xf32> to vector<16xf32>
          %add3A_234 = arith.addf %get3A_229, %get3A_233 : vector<16xf32>
          %get3A_235 = arith.index_cast %scan3A_225 : i32 to index
          %get3A_236 = arith.constant 0 : index
          %get3A_237 = tpu.vector_load %arg14[%get3A_235, %get3A_236] {strides = array<i32>} : memref<625x16xf32, #tpu.memory_space<vmem>>, vector<1x16xf32>,
          %get3A_238 = vector.shape_cast %get3A_237 : vector<1x16xf32> to vector<16xf32>
          %mul3A_239 = arith.mulf %add3A_234, %get3A_238 : vector<16xf32>
          %get3A_240 = arith.index_cast %scan3A_225 : i32 to index
          %get3A_241 = arith.constant 0 : index
          %get3A_242 = tpu.vector_load %arg15[%get3A_240, %get3A_241] {strides = array<i32>} : memref<625x16xf32, #tpu.memory_space<vmem>>, vector<1x16xf32>,
          %get3A_243 = vector.shape_cast %get3A_242 : vector<1x16xf32> to vector<16xf32>
          %add3A_244 = arith.addf %mul3A_239, %get3A_243 : vector<16xf32>
          %swap3A_245 = arith.index_cast %scan3A_225 : i32 to index
          %swap3A_246 = arith.constant 0 : index
          %swap3A_247 = tpu.vector_load %arg17[%swap3A_245, %swap3A_246] {strides = array<i32>} : memref<625x16xf32, #tpu.memory_space<vmem>>, vector<1x16xf32>,
          %swap3A_248 = vector.shape_cast %swap3A_247 : vector<1x16xf32> to vector<16xf32>
          %swap3A_249 = vector.shape_cast %add3A_244 : vector<16xf32> to vector<1x16xf32>
          tpu.vector_store %arg17[%swap3A_245, %swap3A_246], %swap3A_249 {strides = array<i32>} : memref<625x16xf32, #tpu.memory_space<vmem>>, vector<1x16xf32>,
          %scan3A_250 = arith.constant 4 : i32
          %scan3A_251 = arith.addi %scan3A_147, %scan3A_250 : i32
          %get3A_252 = arith.index_cast %scan3A_251 : i32 to index
          %get3A_253 = arith.constant 0 : index
          %get3A_254 = tpu.vector_load %arg17[%get3A_252, %get3A_253] {strides = array<i32>} : memref<625x16xf32, #tpu.memory_space<vmem>>, vector<1x16xf32>,
          %get3A_255 = vector.shape_cast %get3A_254 : vector<1x16xf32> to vector<16xf32>
          %get3A_256 = arith.index_cast %scan3A_251 : i32 to index
          %get3A_257 = arith.constant 0 : index
          %get3A_258 = tpu.vector_load %arg18[%get3A_256, %get3A_257] {strides = array<i32>} : memref<625x16xf32, #tpu.memory_space<vmem>>, vector<1x16xf32>,
          %get3A_259 = vector.shape_cast %get3A_258 : vector<1x16xf32> to vector<16xf32>
          %add3A_260 = arith.addf %get3A_255, %get3A_259 : vector<16xf32>
          %get3A_261 = arith.index_cast %scan3A_251 : i32 to index
          %get3A_262 = arith.constant 0 : index
          %get3A_263 = tpu.vector_load %arg14[%get3A_261, %get3A_262] {strides = array<i32>} : memref<625x16xf32, #tpu.memory_space<vmem>>, vector<1x16xf32>,
          %get3A_264 = vector.shape_cast %get3A_263 : vector<1x16xf32> to vector<16xf32>
          %mul3A_265 = arith.mulf %add3A_260, %get3A_264 : vector<16xf32>
          %get3A_266 = arith.index_cast %scan3A_251 : i32 to index
          %get3A_267 = arith.constant 0 : index
          %get3A_268 = tpu.vector_load %arg15[%get3A_266, %get3A_267] {strides = array<i32>} : memref<625x16xf32, #tpu.memory_space<vmem>>, vector<1x16xf32>,
          %get3A_269 = vector.shape_cast %get3A_268 : vector<1x16xf32> to vector<16xf32>
          %add3A_270 = arith.addf %mul3A_265, %get3A_269 : vector<16xf32>
          %swap3A_271 = arith.index_cast %scan3A_251 : i32 to index
          %swap3A_272 = arith.constant 0 : index
          %swap3A_273 = tpu.vector_load %arg17[%swap3A_271, %swap3A_272] {strides = array<i32>} : memref<625x16xf32, #tpu.memory_space<vmem>>, vector<1x16xf32>,
          %swap3A_274 = vector.shape_cast %swap3A_273 : vector<1x16xf32> to vector<16xf32>
          %swap3A_275 = vector.shape_cast %add3A_270 : vector<16xf32> to vector<1x16xf32>
          tpu.vector_store %arg17[%swap3A_271, %swap3A_272], %swap3A_275 {strides = array<i32>} : memref<625x16xf32, #tpu.memory_space<vmem>>, vector<1x16xf32>,
          %scan3A_276 = arith.constant 5 : i32
          %scan3A_277 = arith.addi %scan3A_147, %scan3A_276 : i32
          %get3A_278 = arith.index_cast %scan3A_277 : i32 to index
          %get3A_279 = arith.constant 0 : index
          %get3A_280 = tpu.vector_load %arg17[%get3A_278, %get3A_279] {strides = array<i32>} : memref<625x16xf32, #tpu.memory_space<vmem>>, vector<1x16xf32>,
          %get3A_281 = vector.shape_cast %get3A_280 : vector<1x16xf32> to vector<16xf32>
          %get3A_282 = arith.index_cast %scan3A_277 : i32 to index
          %get3A_283 = arith.constant 0 : index
          %get3A_284 = tpu.vector_load %arg18[%get3A_282, %get3A_283] {strides = array<i32>} : memref<625x16xf32, #tpu.memory_space<vmem>>, vector<1x16xf32>,
          %get3A_285 = vector.shape_cast %get3A_284 : vector<1x16xf32> to vector<16xf32>
          %add3A_286 = arith.addf %get3A_281, %get3A_285 : vector<16xf32>
          %get3A_287 = arith.index_cast %scan3A_277 : i32 to index
          %get3A_288 = arith.constant 0 : index
          %get3A_289 = tpu.vector_load %arg14[%get3A_287, %get3A_288] {strides = array<i32>} : memref<625x16xf32, #tpu.memory_space<vmem>>, vector<1x16xf32>,
          %get3A_290 = vector.shape_cast %get3A_289 : vector<1x16xf32> to vector<16xf32>
          %mul3A_291 = arith.mulf %add3A_286, %get3A_290 : vector<16xf32>
          %get3A_292 = arith.index_cast %scan3A_277 : i32 to index
          %get3A_293 = arith.constant 0 : index
          %get3A_294 = tpu.vector_load %arg15[%get3A_292, %get3A_293] {strides = array<i32>} : memref<625x16xf32, #tpu.memory_space<vmem>>, vector<1x16xf32>,
          %get3A_295 = vector.shape_cast %get3A_294 : vector<1x16xf32> to vector<16xf32>
          %add3A_296 = arith.addf %mul3A_291, %get3A_295 : vector<16xf32>
          %swap3A_297 = arith.index_cast %scan3A_277 : i32 to index
          %swap3A_298 = arith.constant 0 : index
          %swap3A_299 = tpu.vector_load %arg17[%swap3A_297, %swap3A_298] {strides = array<i32>} : memref<625x16xf32, #tpu.memory_space<vmem>>, vector<1x16xf32>,
          %swap3A_300 = vector.shape_cast %swap3A_299 : vector<1x16xf32> to vector<16xf32>
          %swap3A_301 = vector.shape_cast %add3A_296 : vector<16xf32> to vector<1x16xf32>
          tpu.vector_store %arg17[%swap3A_297, %swap3A_298], %swap3A_301 {strides = array<i32>} : memref<625x16xf32, #tpu.memory_space<vmem>>, vector<1x16xf32>,
          %scan3A_302 = arith.constant 6 : i32
          %scan3A_303 = arith.addi %scan3A_147, %scan3A_302 : i32
          %get3A_304 = arith.index_cast %scan3A_303 : i32 to index
          %get3A_305 = arith.constant 0 : index
          %get3A_306 = tpu.vector_load %arg17[%get3A_304, %get3A_305] {strides = array<i32>} : memref<625x16xf32, #tpu.memory_space<vmem>>, vector<1x16xf32>,
          %get3A_307 = vector.shape_cast %get3A_306 : vector<1x16xf32> to vector<16xf32>
          %get3A_308 = arith.index_cast %scan3A_303 : i32 to index
          %get3A_309 = arith.constant 0 : index
          %get3A_310 = tpu.vector_load %arg18[%get3A_308, %get3A_309] {strides = array<i32>} : memref<625x16xf32, #tpu.memory_space<vmem>>, vector<1x16xf32>,
          %get3A_311 = vector.shape_cast %get3A_310 : vector<1x16xf32> to vector<16xf32>
          %add3A_312 = arith.addf %get3A_307, %get3A_311 : vector<16xf32>
          %get3A_313 = arith.index_cast %scan3A_303 : i32 to index
          %get3A_314 = arith.constant 0 : index
          %get3A_315 = tpu.vector_load %arg14[%get3A_313, %get3A_314] {strides = array<i32>} : memref<625x16xf32, #tpu.memory_space<vmem>>, vector<1x16xf32>,
          %get3A_316 = vector.shape_cast %get3A_315 : vector<1x16xf32> to vector<16xf32>
          %mul3A_317 = arith.mulf %add3A_312, %get3A_316 : vector<16xf32>
          %get3A_318 = arith.index_cast %scan3A_303 : i32 to index
          %get3A_319 = arith.constant 0 : index
          %get3A_320 = tpu.vector_load %arg15[%get3A_318, %get3A_319] {strides = array<i32>} : memref<625x16xf32, #tpu.memory_space<vmem>>, vector<1x16xf32>,
          %get3A_321 = vector.shape_cast %get3A_320 : vector<1x16xf32> to vector<16xf32>
          %add3A_322 = arith.addf %mul3A_317, %get3A_321 : vector<16xf32>
          %swap3A_323 = arith.index_cast %scan3A_303 : i32 to index
          %swap3A_324 = arith.constant 0 : index
          %swap3A_325 = tpu.vector_load %arg17[%swap3A_323, %swap3A_324] {strides = array<i32>} : memref<625x16xf32, #tpu.memory_space<vmem>>, vector<1x16xf32>,
          %swap3A_326 = vector.shape_cast %swap3A_325 : vector<1x16xf32> to vector<16xf32>
          %swap3A_327 = vector.shape_cast %add3A_322 : vector<16xf32> to vector<1x16xf32>
          tpu.vector_store %arg17[%swap3A_323, %swap3A_324], %swap3A_327 {strides = array<i32>} : memref<625x16xf32, #tpu.memory_space<vmem>>, vector<1x16xf32>,
          %scan3A_328 = arith.constant 7 : i32
          %scan3A_329 = arith.addi %scan3A_147, %scan3A_328 : i32
          %get3A_330 = arith.index_cast %scan3A_329 : i32 to index
          %get3A_331 = arith.constant 0 : index
          %get3A_332 = tpu.vector_load %arg17[%get3A_330, %get3A_331] {strides = array<i32>} : memref<625x16xf32, #tpu.memory_space<vmem>>, vector<1x16xf32>,
          %get3A_333 = vector.shape_cast %get3A_332 : vector<1x16xf32> to vector<16xf32>
          %get3A_334 = arith.index_cast %scan3A_329 : i32 to index
          %get3A_335 = arith.constant 0 : index
          %get3A_336 = tpu.vector_load %arg18[%get3A_334, %get3A_335] {strides = array<i32>} : memref<625x16xf32, #tpu.memory_space<vmem>>, vector<1x16xf32>,
          %get3A_337 = vector.shape_cast %get3A_336 : vector<1x16xf32> to vector<16xf32>
          %add3A_338 = arith.addf %get3A_333, %get3A_337 : vector<16xf32>
          %get3A_339 = arith.index_cast %scan3A_329 : i32 to index
          %get3A_340 = arith.constant 0 : index
          %get3A_341 = tpu.vector_load %arg14[%get3A_339, %get3A_340] {strides = array<i32>} : memref<625x16xf32, #tpu.memory_space<vmem>>, vector<1x16xf32>,
          %get3A_342 = vector.shape_cast %get3A_341 : vector<1x16xf32> to vector<16xf32>
          %mul3A_343 = arith.mulf %add3A_338, %get3A_342 : vector<16xf32>
          %get3A_344 = arith.index_cast %scan3A_329 : i32 to index
          %get3A_345 = arith.constant 0 : index
          %get3A_346 = tpu.vector_load %arg15[%get3A_344, %get3A_345] {strides = array<i32>} : memref<625x16xf32, #tpu.memory_space<vmem>>, vector<1x16xf32>,
          %get3A_347 = vector.shape_cast %get3A_346 : vector<1x16xf32> to vector<16xf32>
          %add3A_348 = arith.addf %mul3A_343, %get3A_347 : vector<16xf32>
          %swap3A_349 = arith.index_cast %scan3A_329 : i32 to index
          %swap3A_350 = arith.constant 0 : index
          %swap3A_351 = tpu.vector_load %arg17[%swap3A_349, %swap3A_350] {strides = array<i32>} : memref<625x16xf32, #tpu.memory_space<vmem>>, vector<1x16xf32>,
          %swap3A_352 = vector.shape_cast %swap3A_351 : vector<1x16xf32> to vector<16xf32>
          %swap3A_353 = vector.shape_cast %add3A_348 : vector<16xf32> to vector<1x16xf32>
          tpu.vector_store %arg17[%swap3A_349, %swap3A_350], %swap3A_353 {strides = array<i32>} : memref<625x16xf32, #tpu.memory_space<vmem>>, vector<1x16xf32>,
        }
        %scan3A_110 = arith.constant 624 : i32
        %scan3A_111 = arith.addi %scan3A_106, %scan3A_110 : i32
        %get3A = arith.index_cast %scan3A_111 : i32 to index
        %get3A_112 = arith.constant 0 : index
        %get3A_113 = tpu.vector_load %arg17[%get3A, %get3A_112] {strides = array<i32>} : memref<625x16xf32, #tpu.memory_space<vmem>>, vector<1x16xf32>,
        %get3A_114 = vector.shape_cast %get3A_113 : vector<1x16xf32> to vector<16xf32>
        %get3A_115 = arith.index_cast %scan3A_111 : i32 to index
        %get3A_116 = arith.constant 0 : index
        %get3A_117 = tpu.vector_load %arg18[%get3A_115, %get3A_116] {strides = array<i32>} : memref<625x16xf32, #tpu.memory_space<vmem>>, vector<1x16xf32>,
        %get3A_118 = vector.shape_cast %get3A_117 : vector<1x16xf32> to vector<16xf32>
        %add3A_119 = arith.addf %get3A_114, %get3A_118 : vector<16xf32>
        %get3A_120 = arith.index_cast %scan3A_111 : i32 to index
        %get3A_121 = arith.constant 0 : index
        %get3A_122 = tpu.vector_load %arg14[%get3A_120, %get3A_121] {strides = array<i32>} : memref<625x16xf32, #tpu.memory_space<vmem>>, vector<1x16xf32>,
        %get3A_123 = vector.shape_cast %get3A_122 : vector<1x16xf32> to vector<16xf32>
        %mul3A_124 = arith.mulf %add3A_119, %get3A_123 : vector<16xf32>
        %get3A_125 = arith.index_cast %scan3A_111 : i32 to index
        %get3A_126 = arith.constant 0 : index
        %get3A_127 = tpu.vector_load %arg15[%get3A_125, %get3A_126] {strides = array<i32>} : memref<625x16xf32, #tpu.memory_space<vmem>>, vector<1x16xf32>,
        %get3A_128 = vector.shape_cast %get3A_127 : vector<1x16xf32> to vector<16xf32>
        %add3A_129 = arith.addf %mul3A_124, %get3A_128 : vector<16xf32>
        %swap3A = arith.index_cast %scan3A_111 : i32 to index
        %swap3A_130 = arith.constant 0 : index
        %swap3A_131 = tpu.vector_load %arg17[%swap3A, %swap3A_130] {strides = array<i32>} : memref<625x16xf32, #tpu.memory_space<vmem>>, vector<1x16xf32>,
        %swap3A_132 = vector.shape_cast %swap3A_131 : vector<1x16xf32> to vector<16xf32>
        %swap3A_133 = vector.shape_cast %add3A_129 : vector<16xf32> to vector<1x16xf32>
        tpu.vector_store %arg17[%swap3A, %swap3A_130], %swap3A_133 {strides = array<i32>} : memref<625x16xf32, #tpu.memory_space<vmem>>, vector<1x16xf32>,
        %scan3A_134 = arith.constant 625 : i32
        %dma_start3A_135 = arith.constant 0 : i32
        %dma_start3A_136 = tpu.memref_slice %arg8[%mul3A_3, %dma_start3A_135] : memref<10008x16xf32, #tpu.memory_space<vmem_shared>> -> memref<625x16xf32, #tpu.memory_space<vmem_shared>>
        %dma_start3A_137 = arith.constant 0 : i32
        %dma_start3A_138 = tpu.memref_slice %arg8[%mul3A_3, %dma_start3A_137] : memref<10008x16xf32, #tpu.memory_space<vmem_shared>> -> memref<625x16xf32, #tpu.memory_space<vmem_shared>>
        tpu.enqueue_dma source(%arg17 : memref<625x16xf32, #tpu.memory_space<vmem>>) target(%dma_start3A_138 : memref<625x16xf32, #tpu.memory_space<vmem_shared>>) target_semaphore(%arg23 : memref<!tpu.dma_semaphore, #tpu.memory_space<semaphore_mem>>)
        %dma_wait3A_139 = arith.constant 0 : i32
        %dma_wait3A_140 = tpu.memref_slice %arg8[%mul3A_3, %dma_wait3A_139] : memref<10008x16xf32, #tpu.memory_space<vmem_shared>> -> memref<625x16xf32, #tpu.memory_space<vmem_shared>>
        %dma_wait3A_141 = arith.constant 0 : i32
        %dma_wait3A_142 = tpu.memref_slice %arg8[%mul3A_3, %dma_wait3A_141] : memref<10008x16xf32, #tpu.memory_space<vmem_shared>> -> memref<625x16xf32, #tpu.memory_space<vmem_shared>>
        tpu.wait_dma2 semaphore(%arg23 : memref<!tpu.dma_semaphore, #tpu.memory_space<semaphore_mem>>) src(%arg17 : memref<625x16xf32, #tpu.memory_space<vmem>>) dst(%dma_wait3A_142 : memref<625x16xf32, #tpu.memory_space<vmem_shared>>)
        %dma_wait3A_143 = arith.constant 0 : i32
        %dma_wait3A_144 = tpu.memref_slice %arg9[%mul3A_3, %dma_wait3A_143] : memref<10008x16xf32, #tpu.memory_space<vmem_shared>> -> memref<625x16xf32, #tpu.memory_space<vmem_shared>>
        %dma_wait3A_145 = arith.constant 0 : i32
        %dma_wait3A_146 = tpu.memref_slice %arg9[%mul3A_3, %dma_wait3A_145] : memref<10008x16xf32, #tpu.memory_space<vmem_shared>> -> memref<625x16xf32, #tpu.memory_space<vmem_shared>>
        tpu.wait_dma2 semaphore(%arg22 : memref<!tpu.dma_semaphore, #tpu.memory_space<semaphore_mem>>) src(%arg19 : memref<625x16xf32, #tpu.memory_space<vmem>>) dst(%dma_wait3A_146 : memref<625x16xf32, #tpu.memory_space<vmem_shared>>)
      } else {
      }
      %barrier3A_81 = arith.constant 0 : index
      tpu.barrier barrier_id(%barrier3A_81)
    }
    %scan3A_52 = arith.constant 10 : i32
    %eq3A = arith.constant 0 : i32
    %eq3A_53 = arith.cmpi eq, %arg0, %eq3A : i32
    %convert_element_type3A = arith.extui %eq3A_53 : i1 to i32
    %cond3A = arith.constant 0 : i32
    %cond3A_54 = arith.cmpi ne, %convert_element_type3A, %cond3A : i32
    scf.if %cond3A_54 {
      "tpu.region"() ({
        %run_scoped3A_61 = tpu.sem_alloc : memref<!tpu.dma_semaphore, #tpu.memory_space<semaphore_mem>>
        %dma_start3A = arith.constant 0 : i32
        %dma_start3A_62 = tpu.memref_slice %arg9[%mul3A_3, %dma_start3A] : memref<10008x16xf32, #tpu.memory_space<vmem_shared>> -> memref<625x16xf32, #tpu.memory_space<vmem_shared>>
        %dma_start3A_63 = arith.constant 0 : i32
        %dma_start3A_64 = tpu.memref_slice %arg9[%mul3A_3, %dma_start3A_63] : memref<10008x16xf32, #tpu.memory_space<vmem_shared>> -> memref<625x16xf32, #tpu.memory_space<vmem_shared>>
        tpu.enqueue_dma source(%dma_start3A_64 : memref<625x16xf32, #tpu.memory_space<vmem_shared>>) target(%arg17 : memref<625x16xf32, #tpu.memory_space<vmem>>) target_semaphore(%run_scoped3A_61 : memref<!tpu.dma_semaphore, #tpu.memory_space<semaphore_mem>>)
        %dma_wait3A = arith.constant 0 : i32
        %dma_wait3A_65 = tpu.memref_slice %arg9[%mul3A_3, %dma_wait3A] : memref<10008x16xf32, #tpu.memory_space<vmem_shared>> -> memref<625x16xf32, #tpu.memory_space<vmem_shared>>
        %dma_wait3A_66 = arith.constant 0 : i32
        %dma_wait3A_67 = tpu.memref_slice %arg9[%mul3A_3, %dma_wait3A_66] : memref<10008x16xf32, #tpu.memory_space<vmem_shared>> -> memref<625x16xf32, #tpu.memory_space<vmem_shared>>
        tpu.wait_dma2 semaphore(%run_scoped3A_61 : memref<!tpu.dma_semaphore, #tpu.memory_space<semaphore_mem>>) src(%dma_wait3A_67 : memref<625x16xf32, #tpu.memory_space<vmem_shared>>) dst(%arg17 : memref<625x16xf32, #tpu.memory_space<vmem>>)
        tpu.yield
      }) : () -> ()
      %run_scoped3A = arith.constant 1 : i32
      "tpu.region"() ({
        %run_scoped3A_61 = tpu.sem_alloc : memref<!tpu.dma_semaphore, #tpu.memory_space<semaphore_mem>>
        %dma_start3A = arith.constant 0 : i32
        %dma_start3A_62 = tpu.memref_slice %arg6[%run_scoped3A, %mul3A_3, %dma_start3A] : memref<2x10008x16xf32, #tpu.memory_space<hbm>> -> memref<1x625x16xf32, #tpu.memory_space<hbm>>
        %dma_start3A_63 = tpu.memref_squeeze %dma_start3A_62 : memref<1x625x16xf32, #tpu.memory_space<hbm>> -> memref<625x16xf32, #tpu.memory_space<hbm>>
        %dma_start3A_64 = arith.constant 0 : i32
        %dma_start3A_65 = tpu.memref_slice %arg6[%run_scoped3A, %mul3A_3, %dma_start3A_64] : memref<2x10008x16xf32, #tpu.memory_space<hbm>> -> memref<1x625x16xf32, #tpu.memory_space<hbm>>
        %dma_start3A_66 = tpu.memref_squeeze %dma_start3A_65 : memref<1x625x16xf32, #tpu.memory_space<hbm>> -> memref<625x16xf32, #tpu.memory_space<hbm>>
        tpu.enqueue_dma source(%dma_start3A_66 : memref<625x16xf32, #tpu.memory_space<hbm>>) target(%arg18 : memref<625x16xf32, #tpu.memory_space<vmem>>) target_semaphore(%run_scoped3A_61 : memref<!tpu.dma_semaphore, #tpu.memory_space<semaphore_mem>>)
        %dma_wait3A = arith.constant 0 : i32
        %dma_wait3A_67 = tpu.memref_slice %arg6[%run_scoped3A, %mul3A_3, %dma_wait3A] : memref<2x10008x16xf32, #tpu.memory_space<hbm>> -> memref<1x625x16xf32, #tpu.memory_space<hbm>>
        %dma_wait3A_68 = tpu.memref_squeeze %dma_wait3A_67 : memref<1x625x16xf32, #tpu.memory_space<hbm>> -> memref<625x16xf32, #tpu.memory_space<hbm>>
        %dma_wait3A_69 = arith.constant 0 : i32
        %dma_wait3A_70 = tpu.memref_slice %arg6[%run_scoped3A, %mul3A_3, %dma_wait3A_69] : memref<2x10008x16xf32, #tpu.memory_space<hbm>> -> memref<1x625x16xf32, #tpu.memory_space<hbm>>
        %dma_wait3A_71 = tpu.memref_squeeze %dma_wait3A_70 : memref<1x625x16xf32, #tpu.memory_space<hbm>> -> memref<625x16xf32, #tpu.memory_space<hbm>>
        tpu.wait_dma2 semaphore(%run_scoped3A_61 : memref<!tpu.dma_semaphore, #tpu.memory_space<semaphore_mem>>) src(%dma_wait3A_71 : memref<625x16xf32, #tpu.memory_space<hbm>>) dst(%arg18 : memref<625x16xf32, #tpu.memory_space<vmem>>)
        tpu.yield
      }) : () -> ()
      "tpu.region"() ({
        %run_scoped3A_61 = tpu.sem_alloc : memref<!tpu.dma_semaphore, #tpu.memory_space<semaphore_mem>>
        %dma_start3A = tpu.memref_slice %arg2[%mul3A_5] : memref<160000xf32, #tpu.memory_space<hbm>> -> memref<10000xf32, #tpu.memory_space<hbm>>
        %dma_start3A_62 = tpu.memref_slice %arg2[%mul3A_5] : memref<160000xf32, #tpu.memory_space<hbm>> -> memref<10000xf32, #tpu.memory_space<hbm>>
        tpu.enqueue_dma source(%dma_start3A_62 : memref<10000xf32, #tpu.memory_space<hbm>>) target(%arg20 : memref<10000xf32, #tpu.memory_space<vmem>>) target_semaphore(%run_scoped3A_61 : memref<!tpu.dma_semaphore, #tpu.memory_space<semaphore_mem>>)
        %dma_wait3A = tpu.memref_slice %arg2[%mul3A_5] : memref<160000xf32, #tpu.memory_space<hbm>> -> memref<10000xf32, #tpu.memory_space<hbm>>
        %dma_wait3A_63 = tpu.memref_slice %arg2[%mul3A_5] : memref<160000xf32, #tpu.memory_space<hbm>> -> memref<10000xf32, #tpu.memory_space<hbm>>
        tpu.wait_dma2 semaphore(%run_scoped3A_61 : memref<!tpu.dma_semaphore, #tpu.memory_space<semaphore_mem>>) src(%dma_wait3A_63 : memref<10000xf32, #tpu.memory_space<hbm>>) dst(%arg20 : memref<10000xf32, #tpu.memory_space<vmem>>)
        tpu.yield
      }) : () -> ()
      %scan3A_55 = arith.constant 0 : i32
      %scan3A_56 = arith.constant 0 : i32
      %scan3A_57 = arith.constant 625 : i32
      %scan3A_58 = arith.addi %scan3A_56, %scan3A_57 : i32
      %scan3A_59 = arith.constant 1 : i32
      scf.for %scan3A_61 = %scan3A_56 to %scan3A_58 step %scan3A_59  : i32 {
        %mul3A_62 = arith.constant 16 : i32
        %mul3A_63 = arith.muli %scan3A_61, %mul3A_62 : i32
        %get3A = arith.index_cast %mul3A_63 : i32 to index
        %get3A_64 = tpu.vector_load %arg20[%get3A] {strides = array<i32>} : memref<10000xf32, #tpu.memory_space<vmem>>, vector<16xf32>,
        %get3A_65 = vector.shape_cast %get3A_64 : vector<16xf32> to vector<16xf32>
        %get3A_66 = arith.index_cast %scan3A_61 : i32 to index
        %get3A_67 = arith.constant 0 : index
        %get3A_68 = tpu.vector_load %arg17[%get3A_66, %get3A_67] {strides = array<i32>} : memref<625x16xf32, #tpu.memory_space<vmem>>, vector<1x16xf32>,
        %get3A_69 = vector.shape_cast %get3A_68 : vector<1x16xf32> to vector<16xf32>
        %get3A_70 = arith.index_cast %scan3A_61 : i32 to index
        %get3A_71 = arith.constant 0 : index
        %get3A_72 = tpu.vector_load %arg18[%get3A_70, %get3A_71] {strides = array<i32>} : memref<625x16xf32, #tpu.memory_space<vmem>>, vector<1x16xf32>,
        %get3A_73 = vector.shape_cast %get3A_72 : vector<1x16xf32> to vector<16xf32>
        %add3A_74 = arith.addf %get3A_69, %get3A_73 : vector<16xf32>
        %get3A_75 = arith.index_cast %scan3A_61 : i32 to index
        %get3A_76 = arith.constant 0 : index
        %get3A_77 = tpu.vector_load %arg16[%get3A_75, %get3A_76] {strides = array<i32>} : memref<625x16xf32, #tpu.memory_space<vmem>>, vector<1x16xf32>,
        %get3A_78 = vector.shape_cast %get3A_77 : vector<1x16xf32> to vector<16xf32>
        %mul3A_79 = arith.mulf %add3A_74, %get3A_78 : vector<16xf32>
        %mul3A_80 = arith.constant 1.000000e-01 : f32
        %mul3A_81 = vector.broadcast %mul3A_80 : f32 to vector<16xf32>
        %mul3A_82 = arith.mulf %mul3A_81, %get3A_65 : vector<16xf32>
        %add3A_83 = arith.addf %mul3A_79, %mul3A_82 : vector<16xf32>
        %mul3A_84 = arith.constant 16 : i32
        %mul3A_85 = arith.muli %scan3A_61, %mul3A_84 : i32
        %swap3A = arith.index_cast %mul3A_85 : i32 to index
        %swap3A_86 = tpu.vector_load %arg20[%swap3A] {strides = array<i32>} : memref<10000xf32, #tpu.memory_space<vmem>>, vector<16xf32>,
        %swap3A_87 = vector.shape_cast %swap3A_86 : vector<16xf32> to vector<16xf32>
        %swap3A_88 = vector.shape_cast %add3A_83 : vector<16xf32> to vector<16xf32>
        tpu.vector_store %arg20[%swap3A], %swap3A_88 {strides = array<i32>} : memref<10000xf32, #tpu.memory_space<vmem>>, vector<16xf32>,
      }
      %scan3A_60 = arith.constant 625 : i32
      "tpu.region"() ({
        %run_scoped3A_61 = tpu.sem_alloc : memref<!tpu.dma_semaphore, #tpu.memory_space<semaphore_mem>>
        %dma_start3A = tpu.memref_slice %arg5[%mul3A_5] : memref<160000xf32, #tpu.memory_space<hbm>> -> memref<10000xf32, #tpu.memory_space<hbm>>
        %dma_start3A_62 = tpu.memref_slice %arg5[%mul3A_5] : memref<160000xf32, #tpu.memory_space<hbm>> -> memref<10000xf32, #tpu.memory_space<hbm>>
        tpu.enqueue_dma source(%arg20 : memref<10000xf32, #tpu.memory_space<vmem>>) target(%dma_start3A_62 : memref<10000xf32, #tpu.memory_space<hbm>>) target_semaphore(%run_scoped3A_61 : memref<!tpu.dma_semaphore, #tpu.memory_space<semaphore_mem>>)
        %dma_wait3A = tpu.memref_slice %arg5[%mul3A_5] : memref<160000xf32, #tpu.memory_space<hbm>> -> memref<10000xf32, #tpu.memory_space<hbm>>
        %dma_wait3A_63 = tpu.memref_slice %arg5[%mul3A_5] : memref<160000xf32, #tpu.memory_space<hbm>> -> memref<10000xf32, #tpu.memory_space<hbm>>
        tpu.wait_dma2 semaphore(%run_scoped3A_61 : memref<!tpu.dma_semaphore, #tpu.memory_space<semaphore_mem>>) src(%arg20 : memref<10000xf32, #tpu.memory_space<vmem>>) dst(%dma_wait3A_63 : memref<10000xf32, #tpu.memory_space<hbm>>)
        tpu.yield
      }) : () -> ()
    } else {
    }
    return
  }
}

module attributes {stable_mosaic.version = 14 : i64} {
  func.func @_mlp_block(%arg0: i32, %arg1: memref<1000x128xf32, #tpu.memory_space<vmem>>, %arg2: memref<128x64xf32, #tpu.memory_space<vmem>>, %arg3: memref<1x64xf32, #tpu.memory_space<vmem>>, %arg4: memref<64x16xf32, #tpu.memory_space<vmem>>, %arg5: memref<1x16xf32, #tpu.memory_space<vmem>>, %arg6: memref<1000x16xf32, #tpu.memory_space<vmem>>) attributes {dimension_semantics = [#tpu.dimension_semantics<arbitrary>], iteration_bounds = array<i64: 10>, scalar_prefetch = 0 : i64, scratch_operands = 0 : i64, tpu.core_type = #tpu.core_type<tc>, window_params = [{transform_indices = @transform_0, window_bounds = array<i64: 1000, 128>}, {pipeline_mode = #tpu.pipeline_mode<synchronous>, transform_indices = @transform_1, window_bounds = array<i64: 128, 64>}, {pipeline_mode = #tpu.pipeline_mode<synchronous>, transform_indices = @transform_2, window_bounds = array<i64: 1, 64>}, {pipeline_mode = #tpu.pipeline_mode<synchronous>, transform_indices = @transform_3, window_bounds = array<i64: 64, 16>}, {pipeline_mode = #tpu.pipeline_mode<synchronous>, transform_indices = @transform_4, window_bounds = array<i64: 1, 16>}, {transform_indices = @transform_5, window_bounds = array<i64: 1000, 16>}]} {
    %get3A = arith.constant 0 : index
    %get3A_0 = arith.constant 0 : index
    %get3A_1 = vector.load %arg1[%get3A, %get3A_0] : memref<1000x128xf32, #tpu.memory_space<vmem>>, vector<1000x128xf32>
    %get3A_2 = arith.constant 0 : index
    %get3A_3 = arith.constant 0 : index
    %get3A_4 = vector.load %arg2[%get3A_2, %get3A_3] : memref<128x64xf32, #tpu.memory_space<vmem>>, vector<128x64xf32>
    %dot_general3A = arith.constant dense<0.000000e+00> : vector<1000x64xf32>
    %dot_general3A_5 = tpu.matmul %get3A_1, %get3A_4, %dot_general3A {dimension_numbers = #tpu.dot_dimension_numbers<[1], [0], [0], [1], [0, 0, 1, 1], [], []>, transpose_lhs_hint = false} : vector<1000x128xf32>, vector<128x64xf32>, vector<1000x64xf32> -> vector<1000x64xf32>
    %get3A_6 = arith.constant 0 : index
    %get3A_7 = arith.constant 0 : index
    %get3A_8 = vector.load %arg3[%get3A_6, %get3A_7] : memref<1x64xf32, #tpu.memory_space<vmem>>, vector<1x64xf32>
    %add3A = vector.broadcast %get3A_8 : vector<1x64xf32> to vector<1000x64xf32>
    %add3A_9 = arith.addf %dot_general3A_5, %add3A : vector<1000x64xf32>
    %max3A = arith.constant 0.000000e+00 : f32
    %max3A_10 = vector.broadcast %max3A : f32 to vector<1000x64xf32>
    %max3A_11 = arith.maximumf %add3A_9, %max3A_10 : vector<1000x64xf32>
    %get3A_12 = arith.constant 0 : index
    %get3A_13 = arith.constant 0 : index
    %get3A_14 = vector.load %arg4[%get3A_12, %get3A_13] : memref<64x16xf32, #tpu.memory_space<vmem>>, vector<64x16xf32>
    %dot_general3A_15 = arith.constant dense<0.000000e+00> : vector<1000x16xf32>
    %dot_general3A_16 = tpu.matmul %max3A_11, %get3A_14, %dot_general3A_15 {dimension_numbers = #tpu.dot_dimension_numbers<[1], [0], [0], [1], [0, 0, 1, 1], [], []>, transpose_lhs_hint = false} : vector<1000x64xf32>, vector<64x16xf32>, vector<1000x16xf32> -> vector<1000x16xf32>
    %get3A_17 = arith.constant 0 : index
    %get3A_18 = arith.constant 0 : index
    %get3A_19 = vector.load %arg5[%get3A_17, %get3A_18] : memref<1x16xf32, #tpu.memory_space<vmem>>, vector<1x16xf32>
    %add3A_20 = vector.broadcast %get3A_19 : vector<1x16xf32> to vector<1000x16xf32>
    %add3A_21 = arith.addf %dot_general3A_16, %add3A_20 : vector<1000x16xf32>
    %swap3A = arith.constant 0 : index
    %swap3A_22 = arith.constant 0 : index
    %swap3A_23 = vector.load %arg6[%swap3A, %swap3A_22] : memref<1000x16xf32, #tpu.memory_space<vmem>>, vector<1000x16xf32>
    tpu.vector_store %arg6[%swap3A, %swap3A_22], %add3A_21 {strides = array<i32>} : memref<1000x16xf32, #tpu.memory_space<vmem>>, vector<1000x16xf32>,
    return
  }
  func.func @transform_0(%arg0: i32) -> (i32, i32) {
    %c0_i32 = arith.constant 0 : i32
    %c0_i32_0 = arith.constant 0 : i32
    return %arg0, %c0_i32 : i32, i32
  }
  func.func @transform_1(%arg0: i32) -> (i32, i32) {
    %c0_i32 = arith.constant 0 : i32
    %c0_i32_0 = arith.constant 0 : i32
    %c0_i32_1 = arith.constant 0 : i32
    return %c0_i32, %c0_i32_0 : i32, i32
  }
  func.func @transform_2(%arg0: i32) -> (i32, i32) {
    %c0_i32 = arith.constant 0 : i32
    %c0_i32_0 = arith.constant 0 : i32
    %c0_i32_1 = arith.constant 0 : i32
    return %c0_i32, %c0_i32_0 : i32, i32
  }
  func.func @transform_3(%arg0: i32) -> (i32, i32) {
    %c0_i32 = arith.constant 0 : i32
    %c0_i32_0 = arith.constant 0 : i32
    %c0_i32_1 = arith.constant 0 : i32
    return %c0_i32, %c0_i32_0 : i32, i32
  }
  func.func @transform_4(%arg0: i32) -> (i32, i32) {
    %c0_i32 = arith.constant 0 : i32
    %c0_i32_0 = arith.constant 0 : i32
    %c0_i32_1 = arith.constant 0 : i32
    return %c0_i32, %c0_i32_0 : i32, i32
  }
  func.func @transform_5(%arg0: i32) -> (i32, i32) {
    %c0_i32 = arith.constant 0 : i32
    %c0_i32_0 = arith.constant 0 : i32
    return %arg0, %c0_i32 : i32, i32
  }
}

</mosaic_0001>

<sc_bundles>
// kernel: kernel.4.cloned.1.call-start
scs
__scs_entry_jumppad:
0x0: {  	(pc) =	sbr.rel $0x88, $3  }
0x1: {  	(tag) =	ssettag $0x0;
	lr =	simm.s32 $0x1  }
0x2: {  	[smem:$0x3F9B] =	sst lr;
	_ =	strace $0xD0000000  }
0x3: {  	_ = 	snop  }
0x4: {  	_ = 	snop  }
0x5: {  	_ = 	snop  }
0x6: {  	_ = 	snop  }
0x7: {  	_ = 	snop  }
__scs_overlays_trampoline_lowered:
0x8: {  	[smem:$0x3FAA] =	sst s0  }
0x9: {  	[smem:$0x3FAB] =	sst s1  }
0xa: {  	[smem:$0x3FAC] =	sst s2  }
0xb: {  	[smem:$0x3FAD] =	sst s3  }
0xc: {  	[smem:$0x3FAE] =	sst s4  }
0xd: {  	[smem:$0x3FAF] =	sst s5  }
0xe: {  	[smem:$0x3FB0] =	sst s6  }
0xf: {  	[smem:$0x3FB1] =	sst s7  }
0x10: {  	[smem:$0x3FB2] =	sst s8  }
0x11: {  	[smem:$0x3FB3] =	sst s9;
	s0 =	simm.s32 @!p0 $0x0  }
0x12: {  	s1 =	sld [smem:$0x3F99];
	s0 =	simm.s32 @p0 $0x1  }
0x13: {  	[smem:$0x3FB4] =	sst s0;
	s0 =	simm.s32 @!p1 $0x0  }
0x14: {  	s2 =	sld [smem:$0x3F98];
	s0 =	simm.s32 @p1 $0x1  }
0x15: {  	[smem:$0x3FB5] =	sst s0;
	s0 =	simm.s32 @!p2 $0x0  }
0x16: {  	s3 =	sld [smem:$0x3FDB];
	s0 =	simm.s32 @p2 $0x1  }
0x17: {  	s4 =	simm.s32 $0x1BF5;
	[smem:$0x3FB7] =	sst s0  }
0x18: {  	s0 =	sld [smem:$0x3F9A];
	_ =	swait.ge [sflag:s4], $0x0  }
0x19: {  	s7 =	sld [smem:$0x3F9B]  }
0x1a: {  	s8 =	sadd.s32 $0xFFFFE003, lr  }
0x1b: {  	s9 =	sadd.s32 $0xFFFFFEF7, lr;
	s5 =	simm.s32 $0xFFFFFFFF;
	p2 =	slt.u32 s8, $0xFFFFF086  }
0x1c: {  	p1 =	slt.u32 s9, $0xF7A;
	s5 =	simm.s32 @!p2 $0x0  }
0x1d: {  	s5 =	simm.s32 @p1 $0x1;
	p0 =	seq.s32 s7, s2  }
0x1e: {  	s7 =	smul.u32 @!p0 $0xF7A, s2;
	p2 =	seq.s32 @!p0 s5, $0x0  }
0x1f: {  	s9 =	smul.u32 $0xF7A, s1;
	s8 =	simm.s32 @!p0 $0x1BF5;
	p2 =	por !p2, p0  }
0x20: {  	[sflag:s8] =	ssyncset.s32 @!p0 $0xFFFFF086;
	s6 =	sadd.s32 @!p0 s3, s7;
	s7 =	simm.s32 @!p0 $0x108  }
0x21: {  	s3 =	sadd.s32 s3, s9;
	s6 =	sadd.s32 @!p0 $0x88, s6;
	s7 =	simm.s32 @p2 $0x1082  }
0x22: {  	[simem:s7], [sflag:s8] =	dma.local @!p0 [hbm:s6], $0xF7A  }
0x23: {  	s9 =	sor.u32 $0xD0000000, s2;
	s6 =	simm.s32 $0x108;
	_ =	swait.ge @!p0 [sflag:s8], $0x0  }
0x24: {  	s3 =	sadd.s32 $0x88, s3;
	s6 =	simm.s32 @!p1 $0x1082;
	[sflag:s4] =	ssyncset.s32 $0xFFFFF086  }
0x25: {  	[simem:s6], [sflag:s4] =	dma.local [hbm:s3], $0xF7A  }
0x26: {  	[smem:$0x3F9B] =	sst s1;
	(tag) =	ssettag s2;
	_ =	strace s9  }
0x27: {  	s1 =	sld [smem:$0x3FAB]  }
0x28: {  	s2 =	sld [smem:$0x3FAC]  }
0x29: {  	s4 =	sld [smem:$0x3FAE]  }
0x2a: {  	p0 =	seq.s32 s5, $0x0;
	s5 =	sld [smem:$0x3FAF]  }
0x2b: {  	s6 =	sld [smem:$0x3FB0]  }
0x2c: {  	s7 =	sld [smem:$0x3FB1]  }
0x2d: {  	s3 =	simm.s32 $0x108;
	s8 =	sld [smem:$0x3FB2]  }
0x2e: {  	s3 =	simm.s32 @!p0 $0x1082;
	s9 =	sld [smem:$0x3FB3]  }
0x2f: {  	lr =	sadd.s32 s0, s3;
	s0 =	sld [smem:$0x3FAA]  }
0x30: {  	s3 =	sld [smem:$0x3FAD]  }
0x31: {  	[smem:$0x3FB6] =	sst s10  }
0x32: {  	s10 =	sld [smem:$0x3FB4];
	_ =	sdelay $0x3  }
0x33: {  	p0 =	seq.s32 s10, $0x1;
	s10 =	sld [smem:$0x3FB6];
	_ =	sdelay $0x3  }
0x34: {  	[smem:$0x3FB6] =	sst s10  }
0x35: {  	s10 =	sld [smem:$0x3FB5];
	_ =	sdelay $0x3  }
0x36: {  	p1 =	seq.s32 s10, $0x1;
	s10 =	sld [smem:$0x3FB6];
	_ =	sdelay $0x3  }
0x37: {  	[smem:$0x3FB6] =	sst s10  }
0x38: {  	s10 =	sld [smem:$0x3FB7]  }
0x39: {  	_ = 	snop;
	(pc) =	sbr.ind lr, $3  }
0x3a: {  	_ = 	snop  }
0x3b: {  	_ = 	snop  }
0x3c: {  	p2 =	seq.s32 s10, $0x1;
	s10 =	sld [smem:$0x3FB6]  }
0x3d: {  	_ =	shalt  }
0x3e: {  	_ =	shalt  }
0x3f: {  	_ =	shalt  }
0x40: {  	_ =	shalt  }
0x41: {  	_ =	shalt  }
0x42: {  	_ =	shalt  }
0x43: {  	_ =	shalt  }
0x44: {  	_ =	shalt  }
0x45: {  	_ =	shalt  }
0x46: {  	_ =	shalt  }
0x47: {  	_ =	shalt  }
0x48: {  	_ =	shalt  }
0x49: {  	_ =	shalt  }
0x4a: {  	_ =	shalt  }
0x4b: {  	_ =	shalt  }
0x4c: {  	_ =	shalt  }
0x4d: {  	_ =	shalt  }
0x4e: {  	_ =	shalt  }
0x4f: {  	_ =	shalt  }
0x50: {  	_ =	shalt  }
0x51: {  	_ =	shalt  }
0x52: {  	_ =	shalt  }
0x53: {  	_ =	shalt  }
0x54: {  	_ =	shalt  }
0x55: {  	_ =	shalt  }
0x56: {  	_ =	shalt  }
0x57: {  	_ =	shalt  }
0x58: {  	_ =	shalt  }
0x59: {  	_ =	shalt  }
0x5a: {  	_ =	shalt  }
0x5b: {  	_ =	shalt  }
0x5c: {  	_ =	shalt  }
0x5d: {  	_ =	shalt  }
0x5e: {  	_ =	shalt  }
0x5f: {  	_ =	shalt  }
0x60: {  	_ =	shalt  }
0x61: {  	_ =	shalt  }
0x62: {  	_ =	shalt  }
0x63: {  	_ =	shalt  }
0x64: {  	_ =	shalt  }
0x65: {  	_ =	shalt  }
0x66: {  	_ =	shalt  }
0x67: {  	_ =	shalt  }
0x68: {  	_ =	shalt  }
0x69: {  	_ =	shalt  }
0x6a: {  	_ =	shalt  }
0x6b: {  	_ =	shalt  }
0x6c: {  	_ =	shalt  }
0x6d: {  	_ =	shalt  }
0x6e: {  	_ =	shalt  }
0x6f: {  	_ =	shalt  }
0x70: {  	_ =	shalt  }
0x71: {  	_ =	shalt  }
0x72: {  	_ =	shalt  }
0x73: {  	_ =	shalt  }
0x74: {  	_ =	shalt  }
0x75: {  	_ =	shalt  }
0x76: {  	_ =	shalt  }
0x77: {  	_ =	shalt  }
0x78: {  	_ =	shalt  }
0x79: {  	_ =	shalt  }
0x7a: {  	_ =	shalt  }
0x7b: {  	_ =	shalt  }
0x7c: {  	_ =	shalt  }
0x7d: {  	_ =	shalt  }
0x7e: {  	_ =	shalt  }
0x7f: {  	_ =	shalt  }
0x80: {  	_ =	shalt  }
0x81: {  	_ =	shalt  }
0x82: {  	_ =	shalt  }
0x83: {  	_ =	shalt  }
0x84: {  	_ =	shalt  }
0x85: {  	_ =	shalt  }
0x86: {  	_ =	shalt  }
0x87: {  	_ =	shalt  }
.Lfunc_end0:
.L_simem_size_0:
called_computation_lowered:
.L_overlay_start_0:
0x88: {  	s2 =	sld [smem:$0x3FD9]  }
0x89: {  	s3 =	sld [smem:$0x3FFE];
	_ =	sdelay $0x1  }
0x8a: {  	s1 =	srdreg.scid  }
0x8b: {  	s0 =	sand.u32 $0x1, s1  }
0x8c: {  	s17 =	sshll.u32 s0, $0xA;
	s2 =	sadd.s32 s3, s2  }
0x8d: {  	s2 =	sadd.s32 s2, s17  }
0x8e: {  	[smem:$0x3FC2] =	sst s2  }
0x8f: {  	_ = 	snop  }
0x90: {  	s2 =	sld [smem:$0x3FD0];
	(tm) =	ssettm $0x1  }
0x91: {  	s18 =	sld [smem:$0x3FFB];
	_ =	sdelay $0x3  }
0x92: {  	_ =	strace s18  }
0x93: {  	s3 =	sld [smem:$0x3FFC];
	_ =	sdelay $0x3  }
0x94: {  	_ =	strace s3  }
0x95: {  	s3 =	sld [smem:$0x3FFD];
	_ =	sdelay $0x3  }
0x96: {  	_ =	strace s3  }
0x97: {  	_ =	strace $0x8FFFFFFF  }
0x98: {  	s19 =	sld [smem:$0x3FDB];
	_ =	sdelay $0x1  }
0x99: {  	s4 =	simm.s32 $_scs_section_size  }
0x9a: {  	s5 =	simm.s32 $_size__tile_overlayer_lowered;
	s6 =	simm.s32 $_tile_overlayer_lowered  }
0x9b: {  	s22 =	simm.s32 $0x1BFF;
	s21 =	sshll.u32 s6, $0x1;
	s3 =	sadd.s32 s4, s19  }
0x9c: {  	s7 =	simm.s32 $0x0;
	s20 =	sshll.u32 s5, $0x1;
	s5 =	sadd.s32 s21, s3  }
0x9d: {  	[timem:s7], [sflag:s22] =	dma.local [hbm:s5], s20  }
0x9e: {  	_ =	swait.ge [sflag:s22], s20  }
0x9f: {  	s4 =	ssub.s32 $0x0, s20;
	[sflag:s22] =	ssyncset.done $0x0  }
0xa0: {  	[sflag:s22] =	ssyncadd.s32 s4;
	_ =	sdelay $0x1  }
0xa1: {  	s23 =	simm.s32 $0x1B8B  }
0xa2: {  	_ =	swait.ge [sflag:s23], $0x1  }
0xa3: {  	[sflag:s23] =	ssyncset.done $0x0  }
0xa4: {  	s25 =	simm.s32 $0x1B8E;
	s24 =	sld [smem:$0x3FFE];
	[sflag:s23] =	ssyncadd.s32 $0xFFFFFFFF  }
0xa5: {  	s26 =	simm.s32 $execute0_lowered;
	[smem:$0x3FD2] =	sst s25  }
0xa6: {  	s5 =	sshll.u32 s26, $0x1;
	_ =	strace $0x80000046;
	[dreg:$0x1] =	wrdreg $0xFFFFFFFF  }
0xa7: {  	s28 =	simm.s32 $_size_execute0_lowered;
	s3 =	sadd.s32 s3, s5;
	[dreg:$0x0] =	wrdreg $0x0  }
0xa8: {  	s5 =	sshll.u32 s28, $0x1;
	[dreg:$0x2] =	wrdreg s3  }
0xa9: {  	[dreg:$0x3] =	wrdreg s5  }
0xaa: {  	[dreg:$0x4] =	wrdreg $0xC0  }
0xab: {  	_ =	task [dreg:s7], $0x5FFFF  }
0xac: {  	[dreg:$0x1] =	wrdreg $0xFFFFFFFF  }
0xad: {  	[dreg:$0x0] =	wrdreg $0x60  }
0xae: {  	[dreg:$0x2] =	wrdreg s2  }
0xaf: {  	[dreg:$0x3] =	wrdreg s24  }
0xb0: {  	[dreg:$0x4] =	wrdreg $0x0  }
0xb1: {  	[dreg:$0x5] =	wrdreg $0x27180  }
0xb2: {  	[dreg:$0x6] =	wrdreg $0x9  }
0xb3: {  	_ =	task.clear_ibuf [dreg:s7], $0x7FFFF;
	_ =	strace $0x90000046  }
0xb4: {  	s29 =	simm.s32 $0x9;
	_ =	strace $0x80000048  }
0xb5: {  	_ =	swait.ge [sflag:s29], $0x1  }
0xb6: {  	[sflag:s29] =	ssyncadd.s32 $0xFFFFFFFF  }
0xb7: {  	_ =	strace $0x90000048  }
0xb8: {  	_ =	sfence  }
0xb9: {  	s30 =	sld [smem:$0x0];
	_ =	sdelay $0x2  }
0xba: {  	s31 =	sshll.u32 s1, $0xD;
	s1 =	sshrl.u32 s1, $0x2  }
0xbb: {  	s3 =	sand.u32 $0x4000, s31;
	s1 =	sadd.s32 s1, s30  }
0xbc: {  	s0 =	sor.u32 s3, s0;
	s1 =	sshll.u32 s1, $0x11  }
0xbd: {  	s0 =	sor.u32 s1, s0  }
0xbe: {  	s0 =	sadd.s32 $0x8F2B, s0  }
0xbf: {  	[sflag:s0] =	ssyncadd.remote.s32 $0x1  }
0xc0: {  	_ =	sfence.sel $0xFFFF  }
0xc1: {  	[dreg:$0x0] =	wrdreg $0xFFFFFFFF;
	(pc) =	sbr.abs _section_cstart, $3  }
0xc2: {  	[dreg:$0x1] =	wrdreg $0xFFFFFFFF  }
0xc3: {  	_ =	task.clear_ibuf [dreg:s7], $0x2FFFF;
	_ =	strace $0x9FFFFFFF  }
0xc4: {  	(tm) =	ssettm $0x7FFFFFFF  }
0xc5: {  	_ =	shalt  }
tec
execute0_lowered:
.L_overlay_start_1:
0x0: {  	(tag) =	ssettag $0x1  }
0x1: {  	s0 =	rddreg [dreg:$0x0]  }
0x2: {  	s1 =	srdreg.scid;
	s5 =	rddreg [dreg:$0x1]  }
0x3: {  	s2 =	rddreg [dreg:$0x2];
	s8 =	stileid.u32  }
0x4: {  	s3 =	rddreg [dreg:$0x3];
	s29 =	simm.s32 $0x1;
	s30 =	simm.s32 $0x4F30  }
0x5: {  	s31 =	simm.s32 $0xAE30;
	s1 =	sand.u32 $0x1, s1;
	s10 =	smul.u32 $0x4E2, s8  }
0x6: {  	s11 =	smul.u32 $0x2710, s8;
	s13 =	sadd.s32 $0x14800, s5;
	s4 =	sshll.u32 s1, $0x4  }
0x7: {  	s7 =	ssub.s32 $0x2, s1;
	s9 =	smul.u32 $0x27180, s1;
	s18 =	sxor.u32 $0x1, s1  }
0x8: {  	p0 =	sne.s32 s1, $0x0;
	s1 =	simm.s32 $0x7730;
	s6 =	sor.u32 s8, s4  }
0x9: {  	s4 =	simm.s32 $0x0;
	s12 =	sadd.s32 s10, s5;
	s17 =	sshrl.u32 s7, $0x1  }
0xa: {  	s15 =	smul.u32 $0x27180, s18;
	s8 =	sadd.s32 s11, s3;
	s23 =	sshrl.u32 s11, $0x3  }
0xb: {  	s0 =	sadd.s32 s0, s10;
	s18 =	simm.s32 $0x4;
	s6 =	smul.u32 $0x500, s6  }
0xc: {  	[smem:$0x7FF] =	sst s4;
	s14 =	ssub.s32 s7, s17;
	s20 =	sadd.s32 s11, s9  }
0xd: {  	s7 =	sadd.s32 s11, s2;
	s24 =	sadd.s32 s13, s23;
	s26 =	sadd.s32 $0x28400, s12  }
0xe: {  	s17 =	simm.s32 $0x4E30;
	s23 =	simm.s32 $0x2;
	_ =	strace $0x80000047  }
0xf: {  	s21 =	sshrl.u32 s20, $0x3;
	s15 =	sadd.s32 s11, s15;
	[dreg:$0x9] =	wrdreg s0  }
0x10: {  	s25 =	sadd.s32 $0x4E30, s24;
	[dreg:$0xb] =	wrdreg s26;
	s28 =	smax.u32 s14, $0x1  }
0x11: {  	s20 =	simm.s32 $0x18180;
	s24 =	simm.s32 $0x3;
	s26 =	simm.s32 $0x15A70  }
0x12: {  	s6 =	sadd.s32 s6, s5;
	s5 =	sadd.s32 $0x1E600, s5;
	[dreg:$0xa] =	wrdreg s25  }
0x13: {  	s9 =	sadd.s32 s13, s21;
	s22 =	sshrl.u32 s15, $0x3;
	[dreg:$0xc] =	wrdreg s28  }
.Ltmp0:
0x14: {  	s25 =	simm.s32 $0x13360;
	s19 =	sadd.s32 $0x800, s6;
	(pc) =	sbr.rel .LBB2_1-.Ltmp0, $4  }
0x15: {  	s6 =	sadd.s32 $0xA800, s6;
	s11 =	sadd.s32 s13, s22;
	[dreg:$0x5] =	wrdreg s19  }
0x16: {  	[dreg:$0x6] =	wrdreg s6;
	s6 =	sadd.s32 s5, s21;
	s5 =	sadd.s32 s5, s22  }
0x17: {  	s19 =	simm.s32 $0x7630;
	s21 =	simm.s32 $0x100;
	[dreg:$0x7] =	wrdreg s6  }
0x18: {  	v0 =	vimm.f32 $0.0e+00;
	v1 =	vimm.f32 $1.000000000e+00;
	s22 =	simm.s32 $0x9E30;
	[dreg:$0x8] =	wrdreg s5;
	s5 =	simm.s32 $0x0  }
.LBB2_24:
0x19: {  	s5 =	sadd.s32 $0x1, s5;
	s0 =	rddreg [dreg:$0xc]  }
0x1a: {  	p1 =	sne.s32 s5, s0  }
.Ltmp1:
0x1b: {  	_ = 	snop;
	(pc) =	sbr.rel @!p1 .LBB2_25-.Ltmp1, $1  }
0x1c: {  	_ =	sdelay $0x3  }
.LBB2_1:
0x1d: {  	[dreg:$0xd] =	wrdreg s5  }
0x1e: {  	s0 =	rddreg [dreg:$0x5]  }
0x1f: {  	[tilespmem:s17], [sflag:$0x4] =	stream.linear.gather [hbm4b:s0+s4], $0x2800, $0x38;
	[tilespmem:$0x1CFA0] =	vst v63  }
0x20: {  	_ =	swait.ge [sflag:s18], $0x2800  }
0x21: {  	[sflag:s18] =	ssyncset.done $0x0  }
0x22: {  	s28 =	rddreg [dreg:$0x6];
	[sflag:s18] =	ssyncadd.s32 $0xFFFFD800  }
0x23: {  	[tilespmem:s19], [sflag:$0x4] =	stream.linear.gather [hbm4b:s28+s4], $0x2800, $0x38;
	[tilespmem:$0x1CFA0] =	vst v63  }
0x24: {  	_ =	swait.ge [sflag:s18], $0x2800  }
0x25: {  	[sflag:s18] =	ssyncset.done $0x0  }
0x26: {  	s0 =	simm.s32 $0x0;
	[sflag:s18] =	ssyncadd.s32 $0xFFFFD800  }
.LBB2_2:
0x27: {  	p1 =	sne.s32 s0, $0x9C00  }
.Ltmp2:
0x28: {  	_ = 	snop;
	(pc) =	sbr.rel @p1 .LBB2_2-.Ltmp2, $3  }
0x29: {  	_ =	sdelay $0x1  }
0x2a: {  	s5 =	sshra.s32 s0, $0x2  }
0x2b: {  	s0 =	sadd.s32 $0x40, s0;
	[tilespmem:s5+$0x18180] =	vst v0  }
0x2c: {  	s0 =	simm.s32 $0x40;
	s5 =	simm.s32 $0x0  }
.LBB2_4:
0x2d: {  	p1 =	sne.s32 s0, $0x3FC0;
	[tilespmem:s5+$0x9E30] =	vst v1;
	s5 =	smov.u32 s0;
	s0 =	sadd.s32 $0x40, s0  }
.Ltmp3:
0x2e: {  	(pc) =	sbr.rel @p1 .LBB2_4-.Ltmp3, $2  }
0x2f: {  	_ =	sdelay $0x2  }
0x30: {  	s5 =	sshra.s32 s5, $0x2  }
0x31: {  	[tilespmem:s5+$0x9E30] =	vst v1  }
0x32: {  	[spmem:s7] =	stream.linear.scatter [tilespmem:s20], [sflag:$0x4], $0x2710, $0x38;
	[tilespmem:$0x1CFA0] =	vst v63  }
0x33: {  	_ =	swait.ge [sflag:s18], $0x2710  }
0x34: {  	[sflag:s18] =	ssyncset.done $0x0  }
0x35: {  	[sflag:s18] =	ssyncadd.s32 $0xFFFFD8F0  }
0x36: {  	[spmem:s8] =	stream.linear.scatter [tilespmem:s20], [sflag:$0x4], $0x2710, $0x38;
	[tilespmem:$0x1CFA0] =	vst v63  }
0x37: {  	_ =	swait.ge [sflag:s18], $0x2710  }
0x38: {  	[sflag:s18] =	ssyncset.done $0x0  }
0x39: {  	[sflag:s18] =	ssyncadd.s32 $0xFFFFD8F0  }
0x3a: {  	s0 =	simm.s32 $0x4E30;
	[bflag:$0x0] =	sbarrier.arrive $0xFFFF  }
0x3b: {  	[spmem:s2] =	stream.indirect.scatter.add.f32 [tilespmem:s22], [sflag:$0x2], $0x10, s0, s21, $0xb8;
	[tilespmem:$0x1CFA0] =	vst v63  }
0x3c: {  	s5 =	simm.s32 $0x7630;
	s0 =	simm.s32 $0x400  }
.LBB2_6:
0x3d: {  	[spmem:s3] =	stream.indirect.scatter.add.f32 [tilespmem:s22], [sflag:$0x3], $0x10, s5, s21, $0xb8;
	[tilespmem:$0x1CFA0] =	vst v63  }
0x3e: {  	s5 =	smov.u32 s0;
	p1 =	sne.s32 s0, $0x9C00  }
.Ltmp4:
0x3f: {  	s0 =	sadd.s32 $0x400, s0;
	(pc) =	sbr.rel @p1 .LBB2_6-.Ltmp4, $4  }
0x40: {  	s5 =	sshra.s32 s5, $0x2  }
0x41: {  	s6 =	sadd.s32 $0x4E30, s5  }
0x42: {  	[spmem:s2] =	stream.indirect.scatter.add.f32 [tilespmem:s22], [sflag:$0x2], $0x10, s6, s21, $0xb8;
	[tilespmem:$0x1CFA0] =	vst v63  }
0x43: {  	s5 =	sadd.s32 $0x7630, s5  }
0x44: {  	[spmem:s3] =	stream.indirect.scatter.add.f32 [tilespmem:s22], [sflag:$0x3], $0x10, s5, s21, $0xb8;
	[tilespmem:$0x1CFA0] =	vst v63  }
0x45: {  	_ =	swait.ge [sflag:s23], $0x1000  }
0x46: {  	[sflag:s23] =	ssyncset.done $0x0  }
0x47: {  	[sflag:s23] =	ssyncadd.s32 $0xFFFFF000  }
0x48: {  	_ =	swait.ge [sflag:s24], $0x1000  }
0x49: {  	s0 =	simm.s32 $0x27;
	[sflag:s24] =	ssyncset.done $0x0  }
.LBB2_8:
0x4a: {  	p1 =	sne.s32 s0, $0x1;
	s0 =	sadd.s32 $0xFFFFFFFF, s0;
	[sflag:s24] =	ssyncadd.s32 $0xFFFFF000  }
.Ltmp5:
0x4b: {  	_ =	swait.ge [sflag:s23], $0x1000;
	(pc) =	sbr.rel @p1 .LBB2_8-.Ltmp5, $4  }
0x4c: {  	[sflag:s23] =	ssyncset.done $0x0  }
0x4d: {  	[sflag:s23] =	ssyncadd.s32 $0xFFFFF000  }
0x4e: {  	_ =	swait.ge [sflag:s24], $0x1000  }
0x4f: {  	[sflag:s24] =	ssyncset.done $0x0  }
0x50: {  	s0 =	stileid.u32  }
0x51: {  	[sflag:s24] =	ssyncadd.s32 $0xFFFFF000;
	s0 =	sshll.u32 s0, $0x6  }
0x52: {  	[bflag:$0x0] =	sbarrier.arrive $0xFFFF;
	s15 =	sor.u32 $0x1C04, s0;
	s0 =	sshrl.u32 s8, $0x3  }
0x53: {  	[hbm:s9], [sflag:s15] =	dma.local [spmem:s0], $0x4E2  }
0x54: {  	_ =	swait.ge [sflag:s18], $0x4E2  }
0x55: {  	[sflag:s18] =	ssyncset.done $0x0  }
0x56: {  	s5 =	sshrl.u32 s7, $0x3;
	s6 =	rddreg [dreg:$0x7];
	[sflag:s18] =	ssyncadd.s32 $0xFFFFFB1E  }
0x57: {  	[hbm:s6], [sflag:s15] =	dma.local [spmem:s5], $0x4E2  }
0x58: {  	_ =	swait.ge [sflag:s18], $0x4E2  }
0x59: {  	[sflag:s18] =	ssyncset.done $0x0  }
0x5a: {  	[sflag:s18] =	ssyncadd.s32 $0xFFFFFB1E  }
0x5b: {  	[bflag:$0x0] =	sbarrier.arrive $0xFFFF  }
0x5c: {  	[tilespmem:s25], [sflag:$0x4] =	stream.linear.gather [spmem:s8], $0x2710, $0x38;
	[tilespmem:$0x1CFA0] =	vst v63  }
0x5d: {  	_ =	swait.ge [sflag:s18], $0x2710  }
0x5e: {  	[sflag:s18] =	ssyncset.done $0x0  }
0x5f: {  	s16 =	simm.s32 $0x0;
	[sflag:s18] =	ssyncadd.s32 $0xFFFFD8F0  }
0x60: {  	[tilespmem:s26], [sflag:$0x4] =	stream.linear.gather [hbm4b:s11+s16], $0x2710, $0x38;
	[tilespmem:$0x1CFA0] =	vst v63  }
0x61: {  	_ =	swait.ge [sflag:s18], $0x2710  }
0x62: {  	[sflag:s18] =	ssyncset.done $0x0  }
0x63: {  	s6 =	simm.s32 $0x0;
	[sflag:s18] =	ssyncadd.s32 $0xFFFFD8F0  }
0x64: {  	v2 =	vld [tilespmem:s6+$0x13360]  }
0x65: {  	v3 =	vld [tilespmem:s6+$0x15A70];
	_ =	sdelay $0x3  }
0x66: {  	s5 =	simm.s32 $0x10  }
0x67: {  	v4 =	vld [tilespmem:s5+$0x13360];
	v2 =	vadd.f32 v3, v2  }
0x68: {  	v3 =	vld [tilespmem:s5+$0x15A70]  }
0x69: {  	v2 =	vmax.f32 v2, $1.000000000e+00  }
0x6a: {  	v5 =	vshra.s32 v2, $0x1;
	v6 =	vmul.f32 $5.000000000e-01, v2  }
0x6b: {  	s10 =	simm.s32 $0x20;
	v5 =	vsub.s32 $0x5F3759DF, v5  }
0x6c: {  	v7 =	vld [tilespmem:s10+$0x13360];
	v2 =	vmul.f32 v5, v6  }
0x6d: {  	v3 =	vadd.f32 v3, v4;
	v4 =	vld [tilespmem:s10+$0x15A70]  }
0x6e: {  	v8 =	vmul.f32 v5, v2  }
0x6f: {  	v2 =	vmax.f32 v3, $1.000000000e+00  }
0x70: {  	s12 =	simm.s32 $0x30;
	v3 =	vshra.s32 v2, $0x1;
	v2 =	vmul.f32 $5.000000000e-01, v2;
	v8 =	vsub.f32 $1.500000000e+00, v8  }
0x71: {  	s13 =	simm.s32 $0x40;
	v9 =	vld [tilespmem:s12+$0x13360];
	v3 =	vsub.s32 $0x5F3759DF, v3  }
0x72: {  	v12 =	vld [tilespmem:s13+$0x13360];
	v4 =	vadd.f32 v4, v7;
	v7 =	vmul.f32 v3, v2;
	v5 =	vmul.f32 v5, v8  }
0x73: {  	v8 =	vld [tilespmem:s12+$0x15A70]  }
0x74: {  	v14 =	vld [tilespmem:s13+$0x15A70];
	v4 =	vmax.f32 v4, $1.000000000e+00;
	v7 =	vmul.f32 v3, v7;
	v10 =	vmul.f32 v5, v6  }
0x75: {  	v11 =	vshra.s32 v4, $0x1;
	v4 =	vmul.f32 $5.000000000e-01, v4  }
0x76: {  	v7 =	vsub.f32 $1.500000000e+00, v7;
	v11 =	vsub.s32 $0x5F3759DF, v11;
	v10 =	vmul.f32 v10, v5  }
0x77: {  	v13 =	vmul.f32 v11, v4  }
0x78: {  	v8 =	vadd.f32 v8, v9;
	v9 =	vmul.f32 v3, v7;
	v3 =	vsub.f32 $1.500000000e+00, v10  }
0x79: {  	v12 =	vadd.f32 v14, v12;
	v7 =	vmul.f32 v11, v13  }
0x7a: {  	v8 =	vmax.f32 v8, $1.000000000e+00;
	v10 =	vmul.f32 v9, v2;
	v3 =	vmul.f32 v3, v5  }
0x7b: {  	v13 =	vshra.s32 v8, $0x1;
	v5 =	vmul.f32 $5.000000000e-01, v8;
	v8 =	vsub.f32 $1.500000000e+00, v7  }
0x7c: {  	s16 =	simm.s32 $0x50;
	v10 =	vmul.f32 v10, v9;
	v7 =	vsub.s32 $0x5F3759DF, v13;
	v13 =	vmul.f32 v3, v6  }
0x7d: {  	v14 =	vmul.f32 v7, v5;
	v6 =	vmul.f32 v11, v8;
	v11 =	vld [tilespmem:s16+$0x13360]  }
0x7e: {  	v8 =	vsub.f32 $1.500000000e+00, v10;
	v10 =	vmul.f32 v13, v3;
	v13 =	vmax.f32 v12, $1.000000000e+00;
	v12 =	vld [tilespmem:s16+$0x15A70]  }
0x7f: {  	v14 =	vmul.f32 v7, v14;
	v16 =	vmul.f32 v6, v4  }
0x80: {  	v15 =	vshra.s32 v13, $0x1;
	v8 =	vmul.f32 v8, v9;
	v10 =	vsub.f32 $1.500000000e+00, v10  }
0x81: {  	s28 =	simm.s32 $0x180;
	v9 =	vmul.f32 $5.000000000e-01, v13;
	v14 =	vsub.f32 $1.500000000e+00, v14;
	v13 =	vmul.f32 v16, v6  }
.LBB2_10:
0x82: {  	s14 =	sshra.s32 s28, $0x2;
	v15 =	vsub.s32 $0x5F3759DF, v15;
	v16 =	vmul.f32 v8, v2;
	v10 =	vmul.f32 v10, v3;
	v3 =	vmovc v8;
	v2 =	vmovc v4;
	p1 =	sne.s32 s28, $0x9C00  }
.Ltmp6:
0x83: {  	v8 =	vadd.f32 v12, v11;
	v11 =	vld [tilespmem:s14+$0x13360];
	v17 =	vmul.f32 v15, v9;
	v14 =	vmul.f32 v7, v14;
	v7 =	vmovc v15;
	(pc) =	sbr.rel @p1 .LBB2_10-.Ltmp6, $4  }
0x84: {  	v4 =	vmovc v5;
	v13 =	vsub.f32 $1.500000000e+00, v13;
	v5 =	vmovc v9;
	v12 =	vld [tilespmem:s14+$0x15A70];
	v16 =	vmul.f32 v16, v3;
	v18 =	vmul.f32 $8.999999760e-01, v10  }
0x85: {  	s28 =	sadd.s32 $0x40, s28;
	v9 =	vmax.f32 v8, $1.000000000e+00;
	v17 =	vmul.f32 v7, v17;
	v19 =	vmul.f32 v14, v4  }
0x86: {  	v8 =	vmul.f32 v13, v6;
	v6 =	vmovc v14;
	v15 =	vshra.s32 v9, $0x1;
	v10 =	vsub.f32 $1.500000000e+00, v16;
	[tilespmem:s6+$0x10C50] =	vst v18;
	s6 =	smov.u32 s5;
	s5 =	smov.u32 s10;
	s10 =	smov.u32 s12  }
0x87: {  	v9 =	vmul.f32 $5.000000000e-01, v9;
	s12 =	smov.u32 s13;
	s13 =	smov.u32 s16;
	s16 =	smov.u32 s14;
	v14 =	vsub.f32 $1.500000000e+00, v17;
	v13 =	vmul.f32 v19, v6  }
0x88: {  	_ = 	snop  }
0x89: {  	v11 =	vadd.f32 v12, v11;
	_ =	sdelay $0x1  }
0x8a: {  	v11 =	vmax.f32 v11, $1.000000000e+00  }
0x8b: {  	v54 =	vsub.s32 $0x5F3759DF, v15;
	v55 =	vshra.s32 v11, $0x1;
	v11 =	vmul.f32 $5.000000000e-01, v11  }
0x8c: {  	v16 =	vmul.f32 v54, v9;
	v15 =	vsub.s32 $0x5F3759DF, v55  }
0x8d: {  	v17 =	vmul.f32 v15, v11  }
0x8e: {  	v16 =	vmul.f32 v54, v16  }
0x8f: {  	v17 =	vmul.f32 v15, v17  }
0x90: {  	v16 =	vsub.f32 $1.500000000e+00, v16  }
0x91: {  	v7 =	vmul.f32 v7, v14;
	v56 =	vsub.f32 $1.500000000e+00, v17  }
0x92: {  	v12 =	vmul.f32 v54, v16  }
0x93: {  	v57 =	vmul.f32 v7, v5;
	v14 =	vmul.f32 v15, v56  }
0x94: {  	v58 =	vmul.f32 v12, v9  }
0x95: {  	v16 =	vmul.f32 v57, v7;
	v59 =	vmul.f32 v14, v11  }
0x96: {  	v13 =	vsub.f32 $1.500000000e+00, v13;
	v15 =	vmul.f32 v58, v12  }
0x97: {  	v2 =	vmul.f32 v8, v2;
	v16 =	vsub.f32 $1.500000000e+00, v16;
	v17 =	vmul.f32 v59, v14  }
0x98: {  	v6 =	vmul.f32 v13, v6;
	v60 =	vsub.f32 $1.500000000e+00, v15  }
0x99: {  	v2 =	vmul.f32 v2, v8;
	v7 =	vmul.f32 v16, v7;
	v61 =	vsub.f32 $1.500000000e+00, v17  }
0x9a: {  	v4 =	vmul.f32 v6, v4;
	v12 =	vmul.f32 v60, v12  }
0x9b: {  	v5 =	vmul.f32 v7, v5;
	v62 =	vmul.f32 v61, v14  }
0x9c: {  	v4 =	vmul.f32 v4, v6;
	v63 =	vmul.f32 v12, v9  }
0x9d: {  	v2 =	vsub.f32 $1.500000000e+00, v2;
	v5 =	vmul.f32 v5, v7;
	v11 =	vmul.f32 v62, v11  }
0x9e: {  	v3 =	vmul.f32 v10, v3;
	v4 =	vsub.f32 $1.500000000e+00, v4;
	v9 =	vmul.f32 v63, v12  }
0x9f: {  	v2 =	vmul.f32 v2, v8;
	v5 =	vsub.f32 $1.500000000e+00, v5;
	v8 =	vmul.f32 v11, v62  }
0xa0: {  	v3 =	vmul.f32 $8.999999760e-01, v3;
	v4 =	vmul.f32 v4, v6;
	v6 =	vsub.f32 $1.500000000e+00, v9  }
0xa1: {  	v2 =	vmul.f32 $8.999999760e-01, v2;
	v5 =	vmul.f32 v5, v7;
	v7 =	vsub.f32 $1.500000000e+00, v8  }
0xa2: {  	[tilespmem:s6+$0x10C50] =	vst v3;
	v3 =	vmul.f32 $8.999999760e-01, v4;
	v4 =	vmul.f32 v6, v12  }
0xa3: {  	[tilespmem:s5+$0x10C50] =	vst v2;
	v2 =	vmul.f32 $8.999999760e-01, v5;
	v5 =	vmul.f32 v7, v62  }
0xa4: {  	[tilespmem:s10+$0x10C50] =	vst v3;
	v3 =	vmul.f32 $8.999999760e-01, v4  }
0xa5: {  	[tilespmem:s12+$0x10C50] =	vst v2;
	v2 =	vmul.f32 $8.999999760e-01, v5  }
0xa6: {  	[tilespmem:s13+$0x10C50] =	vst v3  }
0xa7: {  	[tilespmem:s16+$0x10C50] =	vst v2  }
0xa8: {  	[tilespmem:s25], [sflag:$0x4] =	stream.linear.gather [spmem:s7], $0x2710, $0x38;
	[tilespmem:$0x1CFA0] =	vst v63  }
0xa9: {  	_ =	swait.ge [sflag:s18], $0x2710  }
0xaa: {  	[sflag:s18] =	ssyncset.done $0x0  }
0xab: {  	s13 =	simm.s32 $0x0;
	s16 =	rddreg [dreg:$0x8];
	[sflag:s18] =	ssyncadd.s32 $0xFFFFD8F0  }
0xac: {  	[tilespmem:s26], [sflag:$0x4] =	stream.linear.gather [hbm4b:s16+s13], $0x2710, $0x38;
	[tilespmem:$0x1CFA0] =	vst v63  }
0xad: {  	_ =	swait.ge [sflag:s18], $0x2710  }
0xae: {  	[sflag:s18] =	ssyncset.done $0x0  }
0xaf: {  	s14 =	simm.s32 $0x1A890;
	s28 =	rddreg [dreg:$0x9];
	[sflag:s18] =	ssyncadd.s32 $0xFFFFD8F0  }
0xb0: {  	[tilespmem:s14], [sflag:$0x4] =	stream.linear.gather [hbm4b:s28+s13], $0x2710, $0x38;
	[tilespmem:$0x1CFA0] =	vst v63  }
0xb1: {  	_ =	swait.ge [sflag:s18], $0x2710  }
0xb2: {  	[sflag:s18] =	ssyncset.done $0x0  }
0xb3: {  	s5 =	simm.s32 $0x0;
	[sflag:s18] =	ssyncadd.s32 $0xFFFFD8F0  }
0xb4: {  	v2 =	vld [tilespmem:s5+$0x15A70]  }
0xb5: {  	v3 =	vld [tilespmem:s5+$0x13360];
	_ =	sdelay $0x4  }
0xb6: {  	v2 =	vadd.f32 v2, v3;
	_ =	sdelay $0x1  }
0xb7: {  	v2 =	vmax.f32 v2, $1.000000000e+00  }
0xb8: {  	v3 =	vshra.s32 v2, $0x1;
	v2 =	vmul.f32 $5.000000000e-01, v2  }
0xb9: {  	v3 =	vsub.s32 $0x5F3759DF, v3  }
0xba: {  	v4 =	vmul.f32 v3, v2;
	_ =	sdelay $0x1  }
0xbb: {  	v4 =	vmul.f32 v3, v4;
	_ =	sdelay $0x1  }
0xbc: {  	v4 =	vsub.f32 $1.500000000e+00, v4;
	_ =	sdelay $0x1  }
0xbd: {  	v3 =	vmul.f32 v3, v4;
	_ =	sdelay $0x1  }
0xbe: {  	v4 =	vmul.f32 v3, v2;
	_ =	sdelay $0x1  }
0xbf: {  	v4 =	vmul.f32 v4, v3;
	_ =	sdelay $0x1  }
0xc0: {  	v4 =	vsub.f32 $1.500000000e+00, v4;
	_ =	sdelay $0x1  }
0xc1: {  	v4 =	vmul.f32 v4, v3;
	_ =	sdelay $0x1  }
0xc2: {  	v2 =	vmul.f32 v4, v2;
	_ =	sdelay $0x1  }
0xc3: {  	v2 =	vmul.f32 v2, v4;
	_ =	sdelay $0x1  }
0xc4: {  	v2 =	vsub.f32 $1.500000000e+00, v2  }
0xc5: {  	v3 =	vld [tilespmem:s5+$0x1A890]  }
0xc6: {  	v4 =	vmul.f32 v2, v4;
	v2 =	vld [tilespmem:s5+$0x10C50];
	_ =	sdelay $0x3  }
0xc7: {  	s6 =	simm.s32 $0x40;
	s10 =	simm.s32 $0x80;
	v5 =	vmul.f32 $1.000000010e-01, v4;
	v6 =	vmul.f32 v4, v3  }
.LBB2_12:
0xc8: {  	p1 =	sne.s32 s10, $0x9C00;
	s12 =	sshra.s32 s6, $0x2;
	v2 =	vmul.f32 v4, v2;
	s6 =	smov.u32 s10  }
0xc9: {  	v4 =	vld [tilespmem:s12+$0x15A70];
	v3 =	vmul.f32 v5, v3;
	[tilespmem:s5+$0x13360] =	vst v6  }
0xca: {  	v5 =	vld [tilespmem:s12+$0x13360];
	[tilespmem:s5+$0xBE30] =	vst v2  }
0xcb: {  	v2 =	vld [tilespmem:s12+$0x10C50];
	[tilespmem:s5+$0xE540] =	vst v3;
	s5 =	smov.u32 s12;
	_ =	sdelay $0x3  }
0xcc: {  	v3 =	vadd.f32 v4, v5;
	_ =	sdelay $0x1  }
0xcd: {  	v3 =	vmax.f32 v3, $1.000000000e+00  }
0xce: {  	v4 =	vshra.s32 v3, $0x1;
	v3 =	vmul.f32 $5.000000000e-01, v3  }
0xcf: {  	v4 =	vsub.s32 $0x5F3759DF, v4  }
0xd0: {  	v5 =	vmul.f32 v4, v3;
	_ =	sdelay $0x1  }
0xd1: {  	v5 =	vmul.f32 v4, v5;
	_ =	sdelay $0x1  }
0xd2: {  	v5 =	vsub.f32 $1.500000000e+00, v5;
	_ =	sdelay $0x1  }
0xd3: {  	v4 =	vmul.f32 v4, v5;
	_ =	sdelay $0x1  }
0xd4: {  	v5 =	vmul.f32 v4, v3;
	_ =	sdelay $0x1  }
0xd5: {  	v5 =	vmul.f32 v5, v4;
	_ =	sdelay $0x1  }
0xd6: {  	v5 =	vsub.f32 $1.500000000e+00, v5;
	_ =	sdelay $0x1  }
0xd7: {  	v4 =	vmul.f32 v5, v4;
	_ =	sdelay $0x1  }
0xd8: {  	v3 =	vmul.f32 v4, v3;
	_ =	sdelay $0x1  }
0xd9: {  	v5 =	vmul.f32 v3, v4  }
0xda: {  	v3 =	vld [tilespmem:s5+$0x1A890]  }
.Ltmp7:
0xdb: {  	v5 =	vsub.f32 $1.500000000e+00, v5;
	(pc) =	sbr.rel @p1 .LBB2_12-.Ltmp7, $3  }
0xdc: {  	_ = 	snop  }
0xdd: {  	v4 =	vmul.f32 v5, v4;
	_ =	sdelay $0x1  }
0xde: {  	s10 =	sadd.s32 $0x40, s10;
	v5 =	vmul.f32 $1.000000010e-01, v4;
	v6 =	vmul.f32 v4, v3  }
0xdf: {  	s6 =	sshra.s32 s6, $0x2  }
0xe0: {  	v7 =	vld [tilespmem:s6+$0x15A70];
	[tilespmem:s5+$0x13360] =	vst v6  }
0xe1: {  	v6 =	vld [tilespmem:s6+$0x13360];
	_ =	sdelay $0x4  }
0xe2: {  	v6 =	vadd.f32 v7, v6;
	_ =	sdelay $0x1  }
0xe3: {  	v6 =	vmax.f32 v6, $1.000000000e+00  }
0xe4: {  	v60 =	vshra.s32 v6, $0x1;
	v6 =	vmul.f32 $5.000000000e-01, v6  }
0xe5: {  	v7 =	vsub.s32 $0x5F3759DF, v60  }
0xe6: {  	v8 =	vmul.f32 v7, v6;
	_ =	sdelay $0x1  }
0xe7: {  	v8 =	vmul.f32 v7, v8;
	_ =	sdelay $0x1  }
0xe8: {  	v8 =	vsub.f32 $1.500000000e+00, v8;
	_ =	sdelay $0x1  }
0xe9: {  	v7 =	vmul.f32 v7, v8;
	_ =	sdelay $0x1  }
0xea: {  	v8 =	vmul.f32 v7, v6;
	_ =	sdelay $0x1  }
0xeb: {  	v8 =	vmul.f32 v8, v7;
	_ =	sdelay $0x1  }
0xec: {  	v8 =	vsub.f32 $1.500000000e+00, v8;
	_ =	sdelay $0x1  }
0xed: {  	v2 =	vmul.f32 v4, v2;
	v61 =	vmul.f32 v8, v7;
	_ =	sdelay $0x1  }
0xee: {  	v3 =	vmul.f32 v5, v3;
	[tilespmem:s5+$0xBE30] =	vst v2;
	v2 =	vmul.f32 v61, v6;
	_ =	sdelay $0x1  }
0xef: {  	v62 =	vld [tilespmem:s6+$0x10C50];
	[tilespmem:s5+$0xE540] =	vst v3;
	v2 =	vmul.f32 v2, v61  }
0xf0: {  	v3 =	vld [tilespmem:s6+$0x1A890]  }
0xf1: {  	v2 =	vsub.f32 $1.500000000e+00, v2;
	_ =	sdelay $0x1  }
0xf2: {  	v2 =	vmul.f32 v2, v61;
	_ =	sdelay $0x1  }
0xf3: {  	v4 =	vmul.f32 $1.000000010e-01, v2;
	v63 =	vmul.f32 v2, v3  }
0xf4: {  	v2 =	vmul.f32 v2, v62  }
0xf5: {  	v3 =	vmul.f32 v4, v3;
	[tilespmem:s6+$0x13360] =	vst v63  }
0xf6: {  	[tilespmem:s6+$0xBE30] =	vst v2  }
0xf7: {  	[tilespmem:s6+$0xE540] =	vst v3  }
0xf8: {  	[spmem:s7] =	stream.linear.scatter [tilespmem:s25], [sflag:$0x4], $0x2710, $0x38;
	[tilespmem:$0x1CFA0] =	vst v63  }
0xf9: {  	_ =	swait.ge [sflag:s18], $0x2710  }
0xfa: {  	[sflag:s18] =	ssyncset.done $0x0  }
0xfb: {  	[sflag:s18] =	ssyncadd.s32 $0xFFFFD8F0  }
0xfc: {  	[spmem:s8] =	stream.linear.scatter [tilespmem:s20], [sflag:$0x4], $0x2710, $0x38;
	[tilespmem:$0x1CFA0] =	vst v63  }
0xfd: {  	_ =	swait.ge [sflag:s18], $0x2710  }
0xfe: {  	[sflag:s18] =	ssyncset.done $0x0  }
0xff: {  	[sflag:s18] =	ssyncadd.s32 $0xFFFFD8F0  }
0x100: {  	s5 =	simm.s32 $0x0;
	[bflag:$0x0] =	sbarrier.arrive $0xFFFF  }
.LBB2_14:
0x101: {  	[tilespmem:s22], [sflag:$0x1] =	stream.indirect.gather [spmem:s2], $0x10, s17, s21, $0xb8;
	[tilespmem:$0x1CFA0] =	vst v63  }
0x102: {  	_ =	swait.ge [sflag:s29], $0x1000  }
0x103: {  	[sflag:s29] =	ssyncset.done $0x0  }
0x104: {  	[sflag:s29] =	ssyncadd.s32 $0xFFFFF000  }
0x105: {  	[spmem:s3] =	stream.indirect.scatter.add.f32 [tilespmem:s22], [sflag:$0x2], $0x10, s19, s21, $0xb8;
	[tilespmem:$0x1CFA0] =	vst v63  }
0x106: {  	_ = 	snop  }
0x107: {  	[tilespmem:s31], [sflag:$0x1] =	stream.indirect.gather [spmem:s2], $0x10, s30, s21, $0xb8;
	[tilespmem:$0x1CFA0] =	vst v63  }
0x108: {  	_ =	swait.ge [sflag:s29], $0x1000  }
0x109: {  	[sflag:s29] =	ssyncset.done $0x0  }
0x10a: {  	[sflag:s29] =	ssyncadd.s32 $0xFFFFF000  }
0x10b: {  	[spmem:s3] =	stream.indirect.scatter.add.f32 [tilespmem:s31], [sflag:$0x3], $0x10, s1, s21, $0xb8;
	[tilespmem:$0x1CFA0] =	vst v63  }
0x10c: {  	_ =	swait.ge [sflag:s23], $0x1000  }
0x10d: {  	[sflag:s23] =	ssyncset.done $0x0  }
0x10e: {  	s6 =	simm.s32 $0x5030;
	[sflag:s23] =	ssyncadd.s32 $0xFFFFF000  }
0x10f: {  	[tilespmem:s22], [sflag:$0x1] =	stream.indirect.gather [spmem:s2], $0x10, s6, s21, $0xb8;
	[tilespmem:$0x1CFA0] =	vst v63  }
0x110: {  	_ =	swait.ge [sflag:s29], $0x1000  }
0x111: {  	[sflag:s29] =	ssyncset.done $0x0  }
0x112: {  	s16 =	simm.s32 $0x7830;
	[sflag:s29] =	ssyncadd.s32 $0xFFFFF000  }
0x113: {  	[spmem:s3] =	stream.indirect.scatter.add.f32 [tilespmem:s22], [sflag:$0x2], $0x10, s16, s21, $0xb8;
	[tilespmem:$0x1CFA0] =	vst v63  }
0x114: {  	_ =	swait.ge [sflag:s24], $0x1000  }
0x115: {  	[sflag:s24] =	ssyncset.done $0x0  }
0x116: {  	s28 =	simm.s32 $0x5130;
	[sflag:s24] =	ssyncadd.s32 $0xFFFFF000  }
0x117: {  	[tilespmem:s31], [sflag:$0x1] =	stream.indirect.gather [spmem:s2], $0x10, s28, s21, $0xb8;
	[tilespmem:$0x1CFA0] =	vst v63  }
0x118: {  	_ =	swait.ge [sflag:s29], $0x1000  }
0x119: {  	[sflag:s29] =	ssyncset.done $0x0  }
0x11a: {  	s10 =	simm.s32 $0x7930;
	s6 =	simm.s32 $0xFFFF7000;
	[sflag:s29] =	ssyncadd.s32 $0xFFFFF000  }
.LBB2_15:
0x11b: {  	[spmem:s3] =	stream.indirect.scatter.add.f32 [tilespmem:s31], [sflag:$0x3], $0x10, s10, s21, $0xb8;
	[tilespmem:$0x1CFA0] =	vst v63  }
0x11c: {  	s10 =	smov.u32 s6  }
0x11d: {  	p1 =	sne.s32 s6, $0xFFFFF800;
	s6 =	sadd.s32 $0x800, s6;
	_ =	swait.ge [sflag:s23], $0x1000  }
0x11e: {  	s10 =	sshra.s32 s10, $0x2;
	[sflag:s23] =	ssyncset.done $0x0  }
0x11f: {  	s12 =	sadd.s32 $0x7630, s10;
	[sflag:s23] =	ssyncadd.s32 $0xFFFFF000  }
0x120: {  	[tilespmem:s22], [sflag:$0x1] =	stream.indirect.gather [spmem:s2], $0x10, s12, s21, $0xb8;
	[tilespmem:$0x1CFA0] =	vst v63  }
0x121: {  	_ =	swait.ge [sflag:s29], $0x1000  }
0x122: {  	[sflag:s29] =	ssyncset.done $0x0  }
0x123: {  	s12 =	sadd.s32 $0x9E30, s10;
	[sflag:s29] =	ssyncadd.s32 $0xFFFFF000  }
0x124: {  	[spmem:s3] =	stream.indirect.scatter.add.f32 [tilespmem:s22], [sflag:$0x2], $0x10, s12, s21, $0xb8;
	[tilespmem:$0x1CFA0] =	vst v63  }
0x125: {  	_ =	swait.ge [sflag:s24], $0x1000  }
0x126: {  	[sflag:s24] =	ssyncset.done $0x0  }
.Ltmp8:
0x127: {  	s12 =	sadd.s32 $0x7730, s10;
	[sflag:s24] =	ssyncadd.s32 $0xFFFFF000;
	(pc) =	sbr.rel @p1 .LBB2_15-.Ltmp8, $4  }
0x128: {  	[tilespmem:s31], [sflag:$0x1] =	stream.indirect.gather [spmem:s2], $0x10, s12, s21, $0xb8;
	[tilespmem:$0x1CFA0] =	vst v63  }
0x129: {  	_ =	swait.ge [sflag:s29], $0x1000  }
0x12a: {  	[sflag:s29] =	ssyncset.done $0x0  }
0x12b: {  	s10 =	sadd.s32 $0x9F30, s10;
	[sflag:s29] =	ssyncadd.s32 $0xFFFFF000  }
0x12c: {  	[spmem:s3] =	stream.indirect.scatter.add.f32 [tilespmem:s31], [sflag:$0x3], $0x10, s10, s21, $0xb8;
	[tilespmem:$0x1CFA0] =	vst v63  }
0x12d: {  	_ =	swait.ge [sflag:s23], $0x1000  }
0x12e: {  	[sflag:s23] =	ssyncset.done $0x0  }
0x12f: {  	[sflag:s23] =	ssyncadd.s32 $0xFFFFF000  }
0x130: {  	_ =	swait.ge [sflag:s24], $0x1000  }
0x131: {  	[sflag:s24] =	ssyncset.done $0x0  }
0x132: {  	[sflag:s24] =	ssyncadd.s32 $0xFFFFF000  }
0x133: {  	p1 =	seq.s32 s5, $0x9;
	[bflag:$0x0] =	sbarrier.arrive $0xFFFF  }
0x134: {  	[hbm:s9], [sflag:s15] =	dma.local [spmem:s0], $0x4E2  }
.Ltmp9:
0x135: {  	_ =	swait.ge [sflag:s18], $0x4E2;
	(pc) =	sbr.rel @p1 .LBB2_20-.Ltmp9, $3  }
0x136: {  	[sflag:s18] =	ssyncset.done $0x0  }
0x137: {  	[sflag:s18] =	ssyncadd.s32 $0xFFFFFB1E  }
0x138: {  	[bflag:$0x0] =	sbarrier.arrive $0xFFFF;
	_ =	sdelay $0x1  }
0x139: {  	[tilespmem:s25], [sflag:$0x1] =	stream.linear.gather [spmem:s8], $0x2710, $0x38;
	[tilespmem:$0x1CFA0] =	vst v63  }
0x13a: {  	_ =	swait.ge [sflag:s29], $0x2710  }
0x13b: {  	[sflag:s29] =	ssyncset.done $0x0  }
0x13c: {  	[sflag:s29] =	ssyncadd.s32 $0xFFFFD8F0  }
0x13d: {  	[tilespmem:s26], [sflag:$0x3] =	stream.linear.gather [hbm4b:s11+s4], $0x2710, $0x38;
	[tilespmem:$0x1CFA0] =	vst v63  }
0x13e: {  	_ =	swait.ge [sflag:s24], $0x2710  }
0x13f: {  	[sflag:s24] =	ssyncset.done $0x0  }
0x140: {  	s10 =	simm.s32 $0x133A0;
	[sflag:s24] =	ssyncadd.s32 $0xFFFFD8F0  }
0x141: {  	[spmem:s8] =	stream.linear.scatter [tilespmem:s20], [sflag:$0x2], $0x2710, $0x38;
	[tilespmem:$0x1CFA0] =	vst v63  }
0x142: {  	s13 =	simm.s32 $0x15AB0;
	v2 =	vld [tilespmem:s10+$0xFFFFFFC0]  }
0x143: {  	v3 =	vld [tilespmem:s13+$0xFFFFFFC0]  }
0x144: {  	s6 =	simm.s32 $0xBE70  }
0x145: {  	v4 =	vld [tilespmem:s6+$0xFFFFFFC0]  }
0x146: {  	s12 =	simm.s32 $0xE580  }
0x147: {  	v5 =	vld [tilespmem:s12+$0xFFFFFFC0]  }
0x148: {  	v2 =	vadd.f32 v3, v2;
	_ =	sdelay $0x1  }
0x149: {  	v2 =	vmul.f32 v4, v2;
	_ =	sdelay $0x1  }
0x14a: {  	v2 =	vadd.f32 v5, v2;
	_ =	sdelay $0x1  }
0x14b: {  	[tilespmem:s10+$0xFFFFFFC0] =	vst v2;
	v2 =	vld [tilespmem:s10+$0xFFFFFFD0]  }
0x14c: {  	v3 =	vld [tilespmem:s13+$0xFFFFFFD0];
	_ =	sdelay $0x1  }
0x14d: {  	v50 =	vld [tilespmem:s6+$0xFFFFFFD0];
	_ =	sdelay $0x1  }
0x14e: {  	v51 =	vld [tilespmem:s12+$0xFFFFFFD0]  }
0x14f: {  	v2 =	vadd.f32 v3, v2;
	_ =	sdelay $0x1  }
0x150: {  	v2 =	vmul.f32 v50, v2;
	_ =	sdelay $0x1  }
0x151: {  	v2 =	vadd.f32 v51, v2;
	_ =	sdelay $0x1  }
0x152: {  	[tilespmem:s10+$0xFFFFFFD0] =	vst v2;
	v2 =	vld [tilespmem:s10+$0xFFFFFFE0]  }
0x153: {  	v3 =	vld [tilespmem:s13+$0xFFFFFFE0];
	_ =	sdelay $0x1  }
0x154: {  	v52 =	vld [tilespmem:s6+$0xFFFFFFE0];
	_ =	sdelay $0x1  }
0x155: {  	v53 =	vld [tilespmem:s12+$0xFFFFFFE0]  }
0x156: {  	v2 =	vadd.f32 v3, v2;
	_ =	sdelay $0x1  }
0x157: {  	v2 =	vmul.f32 v52, v2;
	_ =	sdelay $0x1  }
0x158: {  	v2 =	vadd.f32 v53, v2;
	_ =	sdelay $0x1  }
0x159: {  	[tilespmem:s10+$0xFFFFFFE0] =	vst v2;
	v2 =	vld [tilespmem:s10+$0xFFFFFFF0]  }
0x15a: {  	v3 =	vld [tilespmem:s13+$0xFFFFFFF0];
	_ =	sdelay $0x1  }
0x15b: {  	v54 =	vld [tilespmem:s6+$0xFFFFFFF0];
	_ =	sdelay $0x1  }
0x15c: {  	v55 =	vld [tilespmem:s12+$0xFFFFFFF0]  }
0x15d: {  	v2 =	vadd.f32 v3, v2;
	_ =	sdelay $0x1  }
0x15e: {  	v2 =	vmul.f32 v54, v2;
	_ =	sdelay $0x1  }
0x15f: {  	v2 =	vadd.f32 v55, v2;
	_ =	sdelay $0x1  }
0x160: {  	[tilespmem:s10+$0xFFFFFFF0] =	vst v2;
	v2 =	vld [tilespmem:s10+$0x0]  }
0x161: {  	v3 =	vld [tilespmem:s13+$0x0];
	_ =	sdelay $0x1  }
0x162: {  	v56 =	vld [tilespmem:s6+$0x0];
	_ =	sdelay $0x1  }
0x163: {  	v57 =	vld [tilespmem:s12+$0x0]  }
0x164: {  	v2 =	vadd.f32 v3, v2;
	_ =	sdelay $0x1  }
0x165: {  	v2 =	vmul.f32 v56, v2;
	_ =	sdelay $0x1  }
0x166: {  	v2 =	vadd.f32 v57, v2;
	_ =	sdelay $0x1  }
0x167: {  	[tilespmem:s10+$0x0] =	vst v2;
	v2 =	vld [tilespmem:s10+$0x10]  }
0x168: {  	v3 =	vld [tilespmem:s13+$0x10];
	_ =	sdelay $0x1  }
0x169: {  	v58 =	vld [tilespmem:s6+$0x10];
	_ =	sdelay $0x1  }
0x16a: {  	v59 =	vld [tilespmem:s12+$0x10]  }
0x16b: {  	v2 =	vadd.f32 v3, v2;
	_ =	sdelay $0x1  }
0x16c: {  	v2 =	vmul.f32 v58, v2;
	_ =	sdelay $0x1  }
0x16d: {  	v2 =	vadd.f32 v59, v2;
	_ =	sdelay $0x1  }
0x16e: {  	[tilespmem:s10+$0x10] =	vst v2;
	v2 =	vld [tilespmem:s10+$0x20]  }
0x16f: {  	v3 =	vld [tilespmem:s13+$0x20];
	_ =	sdelay $0x1  }
0x170: {  	v60 =	vld [tilespmem:s6+$0x20];
	_ =	sdelay $0x1  }
0x171: {  	v61 =	vld [tilespmem:s12+$0x20]  }
0x172: {  	v2 =	vadd.f32 v3, v2;
	_ =	sdelay $0x1  }
0x173: {  	v2 =	vmul.f32 v60, v2;
	_ =	sdelay $0x1  }
0x174: {  	v2 =	vadd.f32 v61, v2;
	_ =	sdelay $0x1  }
0x175: {  	[tilespmem:s10+$0x20] =	vst v2;
	v2 =	vld [tilespmem:s10+$0x30]  }
0x176: {  	v3 =	vld [tilespmem:s13+$0x30];
	_ =	sdelay $0x1  }
0x177: {  	v62 =	vld [tilespmem:s6+$0x30];
	_ =	sdelay $0x1  }
0x178: {  	v63 =	vld [tilespmem:s12+$0x30]  }
0x179: {  	v2 =	vadd.f32 v3, v2;
	_ =	sdelay $0x1  }
0x17a: {  	v2 =	vmul.f32 v62, v2;
	_ =	sdelay $0x1  }
0x17b: {  	v2 =	vadd.f32 v63, v2  }
0x17c: {  	s28 =	simm.s32 $0x0;
	s16 =	simm.s32 $0x15B30;
	s13 =	simm.s32 $0x13420  }
.LBB2_18:
0x17d: {  	v3 =	vld [tilespmem:s13+$0xFFFFFFC0];
	s28 =	sadd.s32 $0x8, s28;
	[tilespmem:s10+$0x30] =	vst v2;
	s12 =	sadd.s32 $0x80, s12;
	s6 =	sadd.s32 $0x80, s6  }
0x17e: {  	s10 =	smov.u32 s13;
	v2 =	vld [tilespmem:s16+$0xFFFFFFC0];
	p1 =	slt.u32 s28, $0x268;
	_ =	sdelay $0x1  }
0x17f: {  	v4 =	vld [tilespmem:s6+$0xFFFFFFC0];
	_ =	sdelay $0x1  }
0x180: {  	v5 =	vld [tilespmem:s12+$0xFFFFFFC0]  }
0x181: {  	v2 =	vadd.f32 v2, v3;
	_ =	sdelay $0x1  }
0x182: {  	v2 =	vmul.f32 v4, v2;
	_ =	sdelay $0x1  }
0x183: {  	v2 =	vadd.f32 v5, v2;
	_ =	sdelay $0x1  }
0x184: {  	[tilespmem:s13+$0xFFFFFFC0] =	vst v2;
	v2 =	vld [tilespmem:s13+$0xFFFFFFD0]  }
0x185: {  	v3 =	vld [tilespmem:s16+$0xFFFFFFD0];
	_ =	sdelay $0x1  }
0x186: {  	v4 =	vld [tilespmem:s6+$0xFFFFFFD0];
	_ =	sdelay $0x1  }
0x187: {  	v5 =	vld [tilespmem:s12+$0xFFFFFFD0]  }
0x188: {  	v2 =	vadd.f32 v3, v2;
	_ =	sdelay $0x1  }
0x189: {  	v2 =	vmul.f32 v4, v2;
	_ =	sdelay $0x1  }
0x18a: {  	v2 =	vadd.f32 v5, v2;
	_ =	sdelay $0x1  }
0x18b: {  	[tilespmem:s13+$0xFFFFFFD0] =	vst v2;
	v2 =	vld [tilespmem:s13+$0xFFFFFFE0]  }
0x18c: {  	v3 =	vld [tilespmem:s16+$0xFFFFFFE0];
	_ =	sdelay $0x1  }
0x18d: {  	v4 =	vld [tilespmem:s6+$0xFFFFFFE0];
	_ =	sdelay $0x1  }
0x18e: {  	v5 =	vld [tilespmem:s12+$0xFFFFFFE0]  }
0x18f: {  	v2 =	vadd.f32 v3, v2;
	_ =	sdelay $0x1  }
0x190: {  	v2 =	vmul.f32 v4, v2;
	_ =	sdelay $0x1  }
0x191: {  	v2 =	vadd.f32 v5, v2;
	_ =	sdelay $0x1  }
0x192: {  	[tilespmem:s13+$0xFFFFFFE0] =	vst v2;
	v2 =	vld [tilespmem:s13+$0xFFFFFFF0]  }
0x193: {  	v3 =	vld [tilespmem:s16+$0xFFFFFFF0];
	_ =	sdelay $0x1  }
0x194: {  	v4 =	vld [tilespmem:s6+$0xFFFFFFF0];
	_ =	sdelay $0x1  }
0x195: {  	v5 =	vld [tilespmem:s12+$0xFFFFFFF0]  }
0x196: {  	v2 =	vadd.f32 v3, v2;
	_ =	sdelay $0x1  }
0x197: {  	v2 =	vmul.f32 v4, v2;
	_ =	sdelay $0x1  }
0x198: {  	v2 =	vadd.f32 v5, v2;
	_ =	sdelay $0x1  }
0x199: {  	[tilespmem:s13+$0xFFFFFFF0] =	vst v2;
	v2 =	vld [tilespmem:s13+$0x0]  }
0x19a: {  	v3 =	vld [tilespmem:s16+$0x0];
	_ =	sdelay $0x1  }
0x19b: {  	v4 =	vld [tilespmem:s6+$0x0];
	_ =	sdelay $0x1  }
0x19c: {  	v5 =	vld [tilespmem:s12+$0x0]  }
0x19d: {  	v2 =	vadd.f32 v3, v2;
	_ =	sdelay $0x1  }
0x19e: {  	v2 =	vmul.f32 v4, v2;
	_ =	sdelay $0x1  }
0x19f: {  	v2 =	vadd.f32 v5, v2;
	_ =	sdelay $0x1  }
0x1a0: {  	[tilespmem:s13+$0x0] =	vst v2;
	v2 =	vld [tilespmem:s13+$0x10]  }
0x1a1: {  	v3 =	vld [tilespmem:s16+$0x10]  }
0x1a2: {  	v4 =	vld [tilespmem:s6+$0x10]  }
0x1a3: {  	v5 =	vld [tilespmem:s12+$0x10];
	_ =	sdelay $0x2  }
0x1a4: {  	v2 =	vadd.f32 v3, v2;
	_ =	sdelay $0x1  }
0x1a5: {  	v2 =	vmul.f32 v4, v2;
	_ =	sdelay $0x1  }
0x1a6: {  	v2 =	vadd.f32 v5, v2;
	_ =	sdelay $0x1  }
0x1a7: {  	[tilespmem:s13+$0x10] =	vst v2;
	v2 =	vld [tilespmem:s13+$0x20]  }
0x1a8: {  	v3 =	vld [tilespmem:s16+$0x20]  }
0x1a9: {  	v4 =	vld [tilespmem:s6+$0x20]  }
0x1aa: {  	v5 =	vld [tilespmem:s12+$0x20];
	_ =	sdelay $0x2  }
0x1ab: {  	v2 =	vadd.f32 v3, v2;
	_ =	sdelay $0x1  }
0x1ac: {  	v2 =	vmul.f32 v4, v2;
	_ =	sdelay $0x1  }
0x1ad: {  	v2 =	vadd.f32 v5, v2;
	_ =	sdelay $0x1  }
0x1ae: {  	[tilespmem:s13+$0x20] =	vst v2;
	v2 =	vld [tilespmem:s13+$0x30]  }
0x1af: {  	v3 =	vld [tilespmem:s16+$0x30]  }
0x1b0: {  	v4 =	vld [tilespmem:s6+$0x30]  }
0x1b1: {  	v5 =	vld [tilespmem:s12+$0x30];
	_ =	sdelay $0x2  }
0x1b2: {  	v2 =	vadd.f32 v3, v2  }
.Ltmp10:
0x1b3: {  	(pc) =	sbr.rel @p1 .LBB2_18-.Ltmp10, $3  }
0x1b4: {  	v2 =	vmul.f32 v4, v2;
	_ =	sdelay $0x1  }
0x1b5: {  	v2 =	vadd.f32 v5, v2  }
0x1b6: {  	s13 =	sadd.s32 $0x80, s13;
	s16 =	sadd.s32 $0x80, s16  }
0x1b7: {  	[tilespmem:s10+$0x30] =	vst v2  }
0x1b8: {  	v2 =	vld [tilespmem:$0x15A60]  }
0x1b9: {  	v3 =	vld [tilespmem:$0x18170];
	_ =	sdelay $0x1  }
0x1ba: {  	v4 =	vld [tilespmem:$0xE530];
	_ =	sdelay $0x1  }
0x1bb: {  	v5 =	vld [tilespmem:$0x10C40]  }
0x1bc: {  	v2 =	vadd.f32 v3, v2;
	_ =	sdelay $0x1  }
0x1bd: {  	v2 =	vmul.f32 v4, v2;
	_ =	sdelay $0x1  }
0x1be: {  	v2 =	vadd.f32 v5, v2;
	_ =	sdelay $0x1  }
0x1bf: {  	[tilespmem:$0x15A60] =	vst v2  }
0x1c0: {  	[spmem:s7] =	stream.linear.scatter [tilespmem:s25], [sflag:$0x3], $0x2710, $0x38;
	[tilespmem:$0x1CFA0] =	vst v63  }
0x1c1: {  	_ =	swait.ge [sflag:s24], $0x2710  }
0x1c2: {  	[sflag:s24] =	ssyncset.done $0x0  }
0x1c3: {  	[sflag:s24] =	ssyncadd.s32 $0xFFFFD8F0  }
.Ltmp11:
0x1c4: {  	_ =	swait.ge [sflag:s23], $0x2710;
	(pc) =	sbr.rel .LBB2_14-.Ltmp11, $4  }
0x1c5: {  	[sflag:s23] =	ssyncset.done $0x0  }
0x1c6: {  	[sflag:s23] =	ssyncadd.s32 $0xFFFFD8F0  }
0x1c7: {  	[bflag:$0x0] =	sbarrier.arrive $0xFFFF  }
0x1c8: {  	s5 =	sadd.s32 $0x1, s5  }
.LBB2_20:
.Ltmp12:
0x1c9: {  	(pc) =	sbr.rel @p0 .LBB2_24-.Ltmp12, $3  }
0x1ca: {  	_ =	sdelay $0x1  }
0x1cb: {  	[bflag:$0x0] =	sbarrier.arrive $0xFFFF  }
0x1cc: {  	s5 =	rddreg [dreg:$0xd]  }
0x1cd: {  	[tilespmem:s25], [sflag:$0x4] =	stream.linear.gather [spmem:s8], $0x2710, $0x38;
	[tilespmem:$0x1CFA0] =	vst v63  }
0x1ce: {  	_ =	swait.ge [sflag:s18], $0x2710  }
0x1cf: {  	[sflag:s18] =	ssyncset.done $0x0  }
0x1d0: {  	s0 =	simm.s32 $0x0;
	s5 =	rddreg [dreg:$0xa];
	[sflag:s18] =	ssyncadd.s32 $0xFFFFD8F0  }
0x1d1: {  	[tilespmem:s26], [sflag:$0x4] =	stream.linear.gather [hbm4b:s5+s0], $0x2710, $0x38;
	[tilespmem:$0x1CFA0] =	vst v63  }
0x1d2: {  	_ =	swait.ge [sflag:s18], $0x2710  }
0x1d3: {  	[sflag:s18] =	ssyncset.done $0x0  }
0x1d4: {  	s28 =	rddreg [dreg:$0x9];
	[sflag:s18] =	ssyncadd.s32 $0xFFFFD8F0  }
0x1d5: {  	[tilespmem:s14], [sflag:$0x4] =	stream.linear.gather [hbm4b:s28+s0], $0x2710, $0x38;
	[tilespmem:$0x1CFA0] =	vst v63  }
0x1d6: {  	_ =	swait.ge [sflag:s18], $0x2710  }
0x1d7: {  	[sflag:s18] =	ssyncset.done $0x0  }
0x1d8: {  	s0 =	simm.s32 $0x0;
	[sflag:s18] =	ssyncadd.s32 $0xFFFFD8F0  }
0x1d9: {  	v2 =	vld [tilespmem:s0+$0x13360]  }
0x1da: {  	v3 =	vld [tilespmem:s0+$0x15A70]  }
0x1db: {  	v4 =	vld [tilespmem:s0+$0x10C50]  }
0x1dc: {  	v5 =	vld [tilespmem:s0+$0x1A890];
	_ =	sdelay $0x2  }
0x1dd: {  	v2 =	vadd.f32 v3, v2;
	_ =	sdelay $0x1  }
0x1de: {  	v3 =	vmul.f32 v4, v2;
	v4 =	vmul.f32 $1.000000010e-01, v5  }
0x1df: {  	s6 =	simm.s32 $0x10  }
0x1e0: {  	s5 =	simm.s32 $0x80;
	v2 =	vld [tilespmem:s6+$0x13360];
	v3 =	vadd.f32 v3, v4  }
.LBB2_22:
0x1e1: {  	p1 =	sne.s32 s5, $0x9C00;
	v4 =	vld [tilespmem:s6+$0x15A70]  }
0x1e2: {  	v5 =	vld [tilespmem:s6+$0x10C50];
	[tilespmem:s0+$0x1A890] =	vst v3;
	s0 =	smov.u32 s6  }
0x1e3: {  	v3 =	vld [tilespmem:s0+$0x1A890];
	_ =	sdelay $0x2  }
.Ltmp13:
0x1e4: {  	v2 =	vadd.f32 v4, v2;
	(pc) =	sbr.rel @p1 .LBB2_22-.Ltmp13, $4  }
0x1e5: {  	_ = 	snop  }
0x1e6: {  	v4 =	vmul.f32 v5, v2;
	v3 =	vmul.f32 $1.000000010e-01, v3  }
0x1e7: {  	s6 =	sshra.s32 s5, $0x2  }
0x1e8: {  	s5 =	sadd.s32 $0x40, s5;
	v2 =	vld [tilespmem:s6+$0x13360];
	v3 =	vadd.f32 v4, v3  }
0x1e9: {  	v4 =	vld [tilespmem:s6+$0x15A70]  }
0x1ea: {  	v5 =	vld [tilespmem:s6+$0x10C50];
	[tilespmem:s0+$0x1A890] =	vst v3  }
0x1eb: {  	v3 =	vld [tilespmem:s6+$0x1A890];
	_ =	sdelay $0x2  }
0x1ec: {  	v2 =	vadd.f32 v4, v2;
	_ =	sdelay $0x1  }
0x1ed: {  	v2 =	vmul.f32 v5, v2;
	v3 =	vmul.f32 $1.000000010e-01, v3;
	_ =	sdelay $0x1  }
0x1ee: {  	v2 =	vadd.f32 v2, v3;
	_ =	sdelay $0x1  }
.Ltmp14:
0x1ef: {  	s28 =	rddreg [dreg:$0xb];
	[tilespmem:s6+$0x1A890] =	vst v2;
	(pc) =	sbr.rel .LBB2_24-.Ltmp14, $4  }
0x1f0: {  	[hbm4b:s28+s4] =	stream.linear.scatter [tilespmem:s14], [sflag:$0x4], $0x2710, $0x38;
	[tilespmem:$0x1CFA0] =	vst v63  }
0x1f1: {  	_ =	swait.ge [sflag:s18], $0x2710  }
0x1f2: {  	[sflag:s18] =	ssyncset.done $0x0  }
0x1f3: {  	s5 =	rddreg [dreg:$0xd];
	[sflag:s18] =	ssyncadd.s32 $0xFFFFD8F0  }
.LBB2_25:
0x1f4: {  	_ =	sfence.sel $0x180000  }
0x1f5: {  	[bflag:$0x0] =	sbarrier.arrive $0xFFFF  }
0x1f6: {  	_ =	strace $0x90000047  }
0x1f7: {  	s0 =	stileid.u32;
	[bflag:$0x2] =	sbarrier.arrive $0xFFFF  }
0x1f8: {  	p0 =	sne.s32 s0, $0x0;
	s0 =	rddreg [dreg:$0x4]  }
0x1f9: {  	s0 =	sadd.s32 @!p0 $0x100000, s0  }
0x1fa: {  	[sflag:s0] =	ssyncadd.tile.s32 @!p0 $0x1;
	_ =	shalt  }
.Lfunc_end2:
_tile_overlayer_lowered:
.L_overlay_start_2:
0x1fb: {  	(tag) =	ssettag $0x2  }
0x1fc: {  	s0 =	rddreg [dreg:$0x0];
	s2 =	stileid.u32  }
0x1fd: {  	s1 =	rddreg [dreg:$0x1];
	p0 =	sne.s32 s2, $0x0  }
0x1fe: {  	s3 =	rddreg [dreg:$0x2];
	[bflag:$0x3] =	sbarrier.arrive $0xFFFF;
	s2 =	simm.s32 @!p0 $0x1C04  }
0x1ff: {  	[timem:s3], [sflag:s2] =	dma.local @!p0 [hbm:s0], s1  }
0x200: {  	s0 =	simm.s32 @!p0 $0x4  }
0x201: {  	_ =	swait.ge @!p0 [sflag:s0], s1  }
0x202: {  	s1 =	ssub.s32 @!p0 $0x0, s1;
	[sflag:s0] =	ssyncset.done @!p0 $0x0  }
0x203: {  	[sflag:s0] =	ssyncadd.s32 @!p0 s1  }
0x204: {  	[bflag:$0x3] =	sbarrier.arrive $0xFFFF  }
0x205: {  	_ =	shalt  }

</sc_bundles>
